<compile_context>
chip_gen: v7x
topology: tpu7x:2x2x1
jax: 0.10.2.dev20260603
libtpu: 0.0.44.dev20260713+nightly
codegen_flags: <defaults>
</compile_context>

<pallas_src>
import jax
import jax.numpy as jnp
from jax import lax
from jax.experimental import pallas as pl
from jax.experimental.pallas import tpu as pltpu
from jax.experimental.pallas import tpu_sc as plsc

B = 4096
F = 26
FD = 13
V = 100000
D = 64
H = 256
BT = 512
NB = B // BT

VB = 16384
HB = VB // 4
NBLK = (V + VB - 1) // VB
RPF = NBLK * HB

NC, NS = 2, 16
NW = NC * NS
RPW = B * F // NW
CS = 128
CH = RPW // CS
CHP = 32



def _pack_body(st_ref, out_ref):
  x = st_ref[0].astype(jnp.bfloat16)
  q = [jnp.transpose(x[:, k * HB:(k + 1) * HB]) for k in range(4)]

  def pack2(a, b):
    a32 = lax.bitcast_convert_type(a, jnp.uint16).astype(jnp.uint32)
    b32 = lax.bitcast_convert_type(b, jnp.uint16).astype(jnp.uint32)
    return lax.bitcast_convert_type(a32 | (b32 << 16), jnp.float32)

  out_ref[...] = jnp.concatenate([pack2(q[0], q[1]), pack2(q[2], q[3])],
                                 axis=1)


def _pack(st):
  return pl.pallas_call(
      _pack_body,
      grid=(F, NBLK),
      in_specs=[pl.BlockSpec((1, D, VB), lambda f, j: (f, 0, j))],
      out_specs=pl.BlockSpec((HB, 2 * D), lambda f, j: (f * NBLK + j, 0)),
      out_shape=jax.ShapeDtypeStruct((F * RPF, 2 * D), jnp.float32),
      compiler_params=pltpu.CompilerParams(
          dimension_semantics=("arbitrary", "arbitrary"),
      ),
  )(st)



def _sc_gather_emb_body(so_ref, idx_ref, emb_out, idx_v, bufs, sem_a, sem_b):
  w = lax.axis_index("s") * NC + lax.axis_index("c")
  pltpu.sync_copy(idx_ref.at[pl.ds(w * CHP, CHP)], idx_v)
  pltpu.async_copy(so_ref.at[idx_v.at[0]], bufs.at[0], sem_a)

  def pair(k, carry):
    c0 = 2 * k
    c1 = c0 + 1
    pltpu.async_copy(so_ref.at[idx_v.at[c1]], bufs.at[1], sem_b)
    pltpu.make_async_copy(so_ref.at[idx_v.at[c0]], bufs.at[0], sem_a).wait()
    pltpu.sync_copy(bufs.at[0], emb_out.at[pl.ds(w * RPW + c0 * CS, CS)])

    @pl.when(c1 + 1 < CH)
    def _():
      pltpu.async_copy(so_ref.at[idx_v.at[c1 + 1]], bufs.at[0], sem_a)

    pltpu.make_async_copy(so_ref.at[idx_v.at[c1]], bufs.at[1], sem_b).wait()
    pltpu.sync_copy(bufs.at[1], emb_out.at[pl.ds(w * RPW + c1 * CS, CS)])
    return carry

  lax.fori_loop(0, CH // 2, pair, 0)


def _sc_gather_emb(packed, idx2):
  mesh = plsc.VectorSubcoreMesh(core_axis_name="c", subcore_axis_name="s")
  return pl.kernel(
      _sc_gather_emb_body,
      out_type=jax.ShapeDtypeStruct((B * F, 2 * D), jnp.float32),
      mesh=mesh,
      scratch_types=[
          pltpu.VMEM((CHP, CS), jnp.int32),
          pltpu.VMEM((2, CS, 2 * D), jnp.float32),
          pltpu.SemaphoreType.DMA,
          pltpu.SemaphoreType.DMA,
      ],
      compiler_params=pltpu.CompilerParams(use_tc_tiling_on_sc=True),
  )(packed, idx2)


def _sc_gather_fo_body(fo_ref, idx_ref, fo_out, idx_v, fo_buf, sem_f):
  w = lax.axis_index("s") * NC + lax.axis_index("c")
  pltpu.sync_copy(idx_ref.at[pl.ds(w * CHP, CHP)], idx_v)

  def chunk(c, carry):
    pltpu.async_copy(fo_ref.at[idx_v.at[c]], fo_buf.at[c], sem_f).wait()
    return carry

  lax.fori_loop(0, CH, chunk, 0)
  pltpu.sync_copy(fo_buf, fo_out.at[pl.ds(w * CHP, CHP)])


def _sc_gather_fo(fo_flat, idx2):
  mesh = plsc.VectorSubcoreMesh(core_axis_name="c", subcore_axis_name="s")
  return pl.kernel(
      _sc_gather_fo_body,
      out_type=jax.ShapeDtypeStruct((NW * CHP, CS), jnp.float32),
      mesh=mesh,
      scratch_types=[
          pltpu.VMEM((CHP, CS), jnp.int32),
          pltpu.VMEM((CHP, CS), jnp.float32),
          pltpu.SemaphoreType.DMA,
      ],
      compiler_params=pltpu.CompilerParams(use_tc_tiling_on_sc=False),
  )(fo_flat, idx2)



def _tc_body(emb_ref, phi_ref, plo_ref, fo_ref, dense_ref, wlin_ref, blin_ref,
             w1_ref, b1_ref, w2_ref, b2_ref, w3_ref, b3_ref,
             w4_ref, b4_ref, wf_ref, bf_ref, wl_ref, bl_ref,
             fin_ref, like_ref):
  e2 = lax.bitcast_convert_type(emb_ref[...], jnp.uint32)
  phi = phi_ref[...]
  plo = plo_ref[...]
  mask_hi = jnp.uint32(0xFFFF0000)
  parts = []
  for f in range(F):
    g0 = e2[:, f * 2 * D:f * 2 * D + D]
    g1 = e2[:, f * 2 * D + D:(f + 1) * 2 * D]
    sel = jnp.where(phi[:, f:f + 1] > 0.5, g1, g0)
    a_f = lax.bitcast_convert_type(sel << 16, jnp.float32)
    b_f = lax.bitcast_convert_type(sel & mask_hi, jnp.float32)
    parts.append(jnp.where(plo[:, f:f + 1] > 0.5, b_f, a_f))
  e16 = jnp.concatenate(parts, axis=1).astype(jnp.bfloat16)

  acc = jnp.zeros((BT, H), jnp.float32)
  base = 0
  for i in range(F - 1):
    nf = F - 1 - i
    a = e16[:, i * D:(i + 1) * D]
    rest = e16[:, (i + 1) * D:]
    a_rep = jnp.concatenate([a] * nf, axis=1)
    prod = a_rep * rest
    acc = acc + lax.dot_general(
        prod, w1_ref[base:base + nf * D, :],
        dimension_numbers=(((1,), (0,)), ((), ())),
        preferred_element_type=jnp.float32)
    base += nf * D

  h = jax.nn.relu(acc + b1_ref[...])
  h = jax.nn.relu(
      lax.dot_general(h, w2_ref[...], (((1,), (0,)), ((), ())),
                      preferred_element_type=jnp.float32) + b2_ref[...])
  h = jax.nn.relu(
      lax.dot_general(h, w3_ref[...], (((1,), (0,)), ((), ())),
                      preferred_element_type=jnp.float32) + b3_ref[...])
  dnn = lax.dot_general(h, w4_ref[...], (((1,), (0,)), ((), ())),
                        preferred_element_type=jnp.float32) + b4_ref[...]

  fo_sum = jnp.sum(fo_ref[...], axis=1, keepdims=True)
  lin = jnp.sum(dense_ref[...] * wlin_ref[...], axis=1, keepdims=True)
  logits = fo_sum + lin + blin_ref[...] + dnn
  fin_ref[...] = jax.nn.sigmoid(logits * wf_ref[...] + bf_ref[...])
  like_ref[...] = jax.nn.sigmoid(logits * wl_ref[...] + bl_ref[...])


def _tc_forward(emb2, phi, plo, fo2, dense, wlin_t, blin, w1p, b1p, w2p, b2p,
                w3p, b3p, w4p, b4, wf, bf, wl, bl):
  bspec = lambda s: pl.BlockSpec(s, lambda t: (t, 0))
  wspec = lambda s: pl.BlockSpec(s, lambda t: (0, 0))
  return pl.pallas_call(
      _tc_body,
      grid=(NB,),
      in_specs=[
          bspec((BT, F * 2 * D)),
          bspec((BT, F)),
          bspec((BT, F)),
          bspec((BT, F)),
          bspec((BT, FD)),
          wspec((1, FD)),
          wspec((1, 1)),
          wspec((F * (F - 1) // 2 * D, H)),
          wspec((1, H)),
          wspec((H, H)),
          wspec((1, H)),
          wspec((H, H)),
          wspec((1, H)),
          wspec((H, 1)),
          wspec((1, 1)),
          wspec((1, 1)),
          wspec((1, 1)),
          wspec((1, 1)),
          wspec((1, 1)),
      ],
      out_specs=[bspec((BT, 1)), bspec((BT, 1))],
      out_shape=[
          jax.ShapeDtypeStruct((B, 1), jnp.float32),
          jax.ShapeDtypeStruct((B, 1), jnp.float32),
      ],
      compiler_params=pltpu.CompilerParams(
          dimension_semantics=("arbitrary",),
      ),
  )(emb2, phi, plo, fo2, dense, wlin_t, blin, w1p, b1p, w2p, b2p,
    w3p, b3p, w4p, b4, wf, bf, wl, bl)


def kernel(sparse_inputs, dense_inputs, W_lin, b_lin, fo_tables, so_tables,
           W1, b1, W2, b2, W3, b3, W4, b4, Wf, bf, Wl, bl):
  si = sparse_inputs.astype(jnp.int32)
  frange = jnp.arange(F, dtype=jnp.int32)[None, :]

  def chunked(ix):
    return jnp.pad(ix.reshape(NW, CH, CS),
                   ((0, 0), (0, CHP - CH), (0, 0))).reshape(NW * CHP, CS)

  blk = si // VB
  rem = si % VB
  half = rem // HB
  row = rem % HB
  idx_emb = chunked((frange * RPF + blk * HB + row).reshape(-1))
  idx_fo = chunked((si + frange * V).reshape(-1))
  phi = (half >= 2).astype(jnp.float32)
  plo = (half & 1).astype(jnp.float32)

  st = jnp.transpose(so_tables, (0, 2, 1))
  packed = _pack(st)
  fo_flat = fo_tables.reshape(F * V)

  emb2 = _sc_gather_emb(packed, idx_emb).reshape(B, F * 2 * D)
  fo_g = _sc_gather_fo(fo_flat, idx_fo)
  fo2 = fo_g.reshape(NW, CHP, CS)[:, :CH].reshape(B, F)

  hpad = H - 200
  w1p = jnp.pad(W1, ((0, 0), (0, hpad))).astype(jnp.bfloat16)
  b1p = jnp.pad(b1, (0, hpad)).reshape(1, H)
  w2p = jnp.pad(W2, ((0, hpad), (0, hpad)))
  b2p = jnp.pad(b2, (0, hpad)).reshape(1, H)
  w3p = jnp.pad(W3, ((0, hpad), (0, hpad)))
  b3p = jnp.pad(b3, (0, hpad)).reshape(1, H)
  w4p = jnp.pad(W4, ((0, hpad), (0, 0)))

  fin, like = _tc_forward(
      emb2, phi, plo, fo2, dense_inputs, W_lin.reshape(1, FD),
      b_lin.reshape(1, 1),
      w1p, b1p, w2p, b2p, w3p, b3p, w4p, b4.reshape(1, 1),
      Wf.reshape(1, 1), bf.reshape(1, 1), Wl.reshape(1, 1), bl.reshape(1, 1))
  return (fin, like)

# --- scband reference (transcript-rebuilt; emitter-appended) ---
"""Pipeline reference for scband-nfm-28733331210600 (READ-ONLY COPY).

The authoritative reference and input builder live on the scoring server;
editing this copy changes nothing except your own understanding.
"""

import jax, jax.numpy as jnp
import numpy as np

B = 4096
F_SPARSE = 26
F_DENSE = 13
V = 100000
D = 64
PAIRS = F_SPARSE * (F_SPARSE - 1) // 2  # 325
IU0, IU1 = np.triu_indices(F_SPARSE, k=1)
FIELD_IDS = jnp.arange(F_SPARSE)[None, :]


def setup_inputs(seed: int = 0) -> dict:
    key = jax.random.key(seed)
    ks = jax.random.split(key, 20)
    s = 0.05
    inp = {}
    inp['sparse_inputs'] = jax.random.randint(ks[0], (B, F_SPARSE), 0, V, dtype=jnp.int64) if jax.config.jax_enable_x64 else jax.random.randint(ks[0], (B, F_SPARSE), 0, V, dtype=jnp.int32)
    inp['dense_inputs'] = jax.random.normal(ks[1], (B, F_DENSE), dtype=jnp.float32)
    inp['W_lin'] = jax.random.normal(ks[2], (F_DENSE, 1), dtype=jnp.float32) * s
    inp['b_lin'] = jnp.zeros((1,), dtype=jnp.float32)
    inp['fo_tables'] = jax.random.normal(ks[3], (F_SPARSE, V), dtype=jnp.float32) * s
    inp['so_tables'] = jax.random.normal(ks[4], (F_SPARSE, V, D), dtype=jnp.float32) * s
    inp['W1'] = jax.random.normal(ks[5], (PAIRS * D, 200), dtype=jnp.float32) * s
    inp['b1'] = jnp.zeros((200,), dtype=jnp.float32)
    inp['W2'] = jax.random.normal(ks[6], (200, 200), dtype=jnp.float32) * s
    inp['b2'] = jnp.zeros((200,), dtype=jnp.float32)
    inp['W3'] = jax.random.normal(ks[7], (200, 200), dtype=jnp.float32) * s
    inp['b3'] = jnp.zeros((200,), dtype=jnp.float32)
    inp['W4'] = jax.random.normal(ks[8], (200, 1), dtype=jnp.float32) * s
    inp['b4'] = jnp.zeros((1,), dtype=jnp.float32)
    inp['Wf'] = jax.random.normal(ks[9], (1, 1), dtype=jnp.float32) * s
    inp['bf'] = jnp.zeros((1,), dtype=jnp.float32)
    inp['Wl'] = jax.random.normal(ks[10], (1, 1), dtype=jnp.float32) * s
    inp['bl'] = jnp.zeros((1,), dtype=jnp.float32)
    return inp


def reference(sparse_inputs, dense_inputs, W_lin, b_lin, fo_tables, so_tables,
              W1, b1, W2, b2, W3, b3, W4, b4, Wf, bf, Wl, bl):
    # first order: linear on dense + per-field 1-dim embedding lookups summed
    linear_dense_out = dense_inputs @ W_lin + b_lin            # [B, 1]
    fo = fo_tables[FIELD_IDS, sparse_inputs]                   # [B, F] (gather per field)
    linear_sparse_out = jnp.sum(fo, axis=1, keepdims=True)     # [B, 1]
    first_order_output = linear_dense_out + linear_sparse_out  # [B, 1]
    # second order embeddings: [B, F, D]
    embeddings = so_tables[FIELD_IDS, sparse_inputs]           # [B, F, D]
    # pairwise elementwise products for i < j -> [B, PAIRS, D]
    bi_interaction = embeddings[:, IU0, :] * embeddings[:, IU1, :]
    nfm_flatten_input = bi_interaction.reshape(bi_interaction.shape[0], -1)
    # DNN (dropout inactive at inference)
    h = jax.nn.relu(nfm_flatten_input @ W1 + b1)
    h = jax.nn.relu(h @ W2 + b2)
    h = jax.nn.relu(h @ W3 + b3)
    dnn_output = h @ W4 + b4                                   # [B, 1]
    logits = first_order_output + dnn_output                   # [B, 1]
    finish_output = jax.nn.sigmoid(logits @ Wf + bf)
    like_output = jax.nn.sigmoid(logits @ Wl + bl)
    return (finish_output, like_output)

if __name__ == "__main__":
    import jax
    _d = setup_inputs()
    print(jax.jit(kernel)(*tuple(_d.values())))

</pallas_src>

<mosaic_0001>
#map = affine_map<(d0, d1) -> (0, 0)>
module attributes {stable_mosaic.version = 14 : i64} {
  func.func @_sc_gather_emb_body(%arg0: i32, %arg1: i32, %arg2: memref<745472x128xf32, #tpu.memory_space<hbm>>, %arg3: memref<1024x128xi32, #tpu.memory_space<hbm>>, %arg4: memref<106496x128xf32, #tpu.memory_space<hbm>>, %arg5: memref<32x128xi32, #tpu.memory_space<vmem>>, %arg6: memref<2x128x128xf32, #tpu.memory_space<vmem>>, %arg7: memref<!tpu.dma_semaphore, #tpu.memory_space<semaphore_mem>>, %arg8: memref<!tpu.dma_semaphore, #tpu.memory_space<semaphore_mem>>) attributes {dimension_semantics = [#tpu.dimension_semantics<core_parallel>, #tpu.dimension_semantics<subcore_parallel>], iteration_bounds = array<i64: 2, 16>, scalar_prefetch = 0 : i64, scratch_operands = 4 : i64, tpu.core_type = #tpu.core_type<sc_vector_subcore>, window_params = [{transform_indices = #map}, {transform_indices = #map}, {transform_indices = #map}]} {
    %mul3A = arith.constant 2 : i32
    %mul3A_0 = arith.muli %arg1, %mul3A : i32
    %add3A = arith.addi %mul3A_0, %arg0 : i32
    %mul3A_1 = arith.constant 32 : i32
    %mul3A_2 = arith.muli %add3A, %mul3A_1 : i32
    "tpu.region"() ({
      %run_scoped3A = tpu.sem_alloc : memref<!tpu.dma_semaphore, #tpu.memory_space<semaphore_mem>>
      %dma_start3A_19 = arith.constant 0 : i32
      %dma_start3A_20 = tpu.memref_slice %arg3[%mul3A_2, %dma_start3A_19] : memref<1024x128xi32, #tpu.memory_space<hbm>> -> memref<32x128xi32, #tpu.memory_space<hbm>>
      %dma_start3A_21 = arith.constant 0 : i32
      %dma_start3A_22 = tpu.memref_slice %arg3[%mul3A_2, %dma_start3A_21] : memref<1024x128xi32, #tpu.memory_space<hbm>> -> memref<32x128xi32, #tpu.memory_space<hbm>>
      tpu.enqueue_dma source(%dma_start3A_22 : memref<32x128xi32, #tpu.memory_space<hbm>>) target(%arg5 : memref<32x128xi32, #tpu.memory_space<vmem>>) target_semaphore(%run_scoped3A : memref<!tpu.dma_semaphore, #tpu.memory_space<semaphore_mem>>)
      %dma_wait3A = arith.constant 0 : i32
      %dma_wait3A_23 = tpu.memref_slice %arg3[%mul3A_2, %dma_wait3A] : memref<1024x128xi32, #tpu.memory_space<hbm>> -> memref<32x128xi32, #tpu.memory_space<hbm>>
      %dma_wait3A_24 = arith.constant 0 : i32
      %dma_wait3A_25 = tpu.memref_slice %arg3[%mul3A_2, %dma_wait3A_24] : memref<1024x128xi32, #tpu.memory_space<hbm>> -> memref<32x128xi32, #tpu.memory_space<hbm>>
      tpu.wait_dma2 semaphore(%run_scoped3A : memref<!tpu.dma_semaphore, #tpu.memory_space<semaphore_mem>>) src(%dma_wait3A_25 : memref<32x128xi32, #tpu.memory_space<hbm>>) dst(%arg5 : memref<32x128xi32, #tpu.memory_space<vmem>>)
      tpu.yield
    }) : () -> ()
    %dma_start3A = arith.constant 0 : i32
    %dma_start3A_3 = arith.constant 0 : i32
    %dma_start3A_4 = arith.constant 0 : i32
    %dma_start3A_5 = arith.constant 0 : i32
    %dma_start3A_6 = tpu.memref_slice %arg6[%dma_start3A_3, %dma_start3A_4, %dma_start3A_5] : memref<2x128x128xf32, #tpu.memory_space<vmem>> -> memref<1x128x128xf32, #tpu.memory_space<vmem>>
    %dma_start3A_7 = tpu.memref_squeeze %dma_start3A_6 : memref<1x128x128xf32, #tpu.memory_space<vmem>> -> memref<128x128xf32, #tpu.memory_space<vmem>>
    %dma_start3A_8 = arith.constant 0 : i32
    %dma_start3A_9 = tpu.memref_slice %arg5[%dma_start3A, %dma_start3A_8] : memref<32x128xi32, #tpu.memory_space<vmem>> -> memref<1x128xi32, #tpu.memory_space<vmem>>
    %dma_start3A_10 = tpu.memref_squeeze %dma_start3A_9 : memref<1x128xi32, #tpu.memory_space<vmem>> -> memref<128xi32, #tpu.memory_space<vmem>>
    %dma_start3A_11 = arith.constant 0 : i32
    %dma_start3A_12 = arith.constant 0 : i32
    %dma_start3A_13 = tpu.memref_slice %arg2[%dma_start3A_11, %dma_start3A_12] : memref<745472x128xf32, #tpu.memory_space<hbm>> -> memref<745472x128xf32, #tpu.memory_space<hbm>>
    tpu.enqueue_indirect_dma source(%dma_start3A_13 : memref<745472x128xf32, #tpu.memory_space<hbm>>) target(%dma_start3A_7 : memref<128x128xf32, #tpu.memory_space<vmem>>) offsets(%dma_start3A_10 : memref<128xi32, #tpu.memory_space<vmem>>) semaphore(%arg7 : memref<!tpu.dma_semaphore, #tpu.memory_space<semaphore_mem>>)
    %scan3A = arith.constant 0 : i32
    %scan3A_14 = arith.constant 0 : i32
    %scan3A_15 = arith.constant 13 : i32
    %scan3A_16 = arith.addi %scan3A_14, %scan3A_15 : i32
    %scan3A_17 = arith.constant 1 : i32
    scf.for %scan3A_19 = %scan3A_14 to %scan3A_16 step %scan3A_17  : i32 {
      %mul3A_20 = arith.constant 2 : i32
      %mul3A_21 = arith.muli %mul3A_20, %scan3A_19 : i32
      %add3A_22 = arith.constant 1 : i32
      %add3A_23 = arith.addi %mul3A_21, %add3A_22 : i32
      %dma_start3A_24 = arith.constant 1 : i32
      %dma_start3A_25 = arith.constant 0 : i32
      %dma_start3A_26 = arith.constant 0 : i32
      %dma_start3A_27 = tpu.memref_slice %arg6[%dma_start3A_24, %dma_start3A_25, %dma_start3A_26] : memref<2x128x128xf32, #tpu.memory_space<vmem>> -> memref<1x128x128xf32, #tpu.memory_space<vmem>>
      %dma_start3A_28 = tpu.memref_squeeze %dma_start3A_27 : memref<1x128x128xf32, #tpu.memory_space<vmem>> -> memref<128x128xf32, #tpu.memory_space<vmem>>
      %dma_start3A_29 = arith.constant 0 : i32
      %dma_start3A_30 = tpu.memref_slice %arg5[%add3A_23, %dma_start3A_29] : memref<32x128xi32, #tpu.memory_space<vmem>> -> memref<1x128xi32, #tpu.memory_space<vmem>>
      %dma_start3A_31 = tpu.memref_squeeze %dma_start3A_30 : memref<1x128xi32, #tpu.memory_space<vmem>> -> memref<128xi32, #tpu.memory_space<vmem>>
      %dma_start3A_32 = arith.constant 0 : i32
      %dma_start3A_33 = arith.constant 0 : i32
      %dma_start3A_34 = tpu.memref_slice %arg2[%dma_start3A_32, %dma_start3A_33] : memref<745472x128xf32, #tpu.memory_space<hbm>> -> memref<745472x128xf32, #tpu.memory_space<hbm>>
      tpu.enqueue_indirect_dma source(%dma_start3A_34 : memref<745472x128xf32, #tpu.memory_space<hbm>>) target(%dma_start3A_28 : memref<128x128xf32, #tpu.memory_space<vmem>>) offsets(%dma_start3A_31 : memref<128xi32, #tpu.memory_space<vmem>>) semaphore(%arg8 : memref<!tpu.dma_semaphore, #tpu.memory_space<semaphore_mem>>)
      %dma_wait3A = arith.constant 0 : i32
      %dma_wait3A_35 = arith.constant 0 : i32
      %dma_wait3A_36 = arith.constant 0 : i32
      %dma_wait3A_37 = tpu.memref_slice %arg6[%dma_wait3A, %dma_wait3A_35, %dma_wait3A_36] : memref<2x128x128xf32, #tpu.memory_space<vmem>> -> memref<1x128x128xf32, #tpu.memory_space<vmem>>
      %dma_wait3A_38 = tpu.memref_squeeze %dma_wait3A_37 : memref<1x128x128xf32, #tpu.memory_space<vmem>> -> memref<128x128xf32, #tpu.memory_space<vmem>>
      %dma_wait3A_39 = arith.constant 0 : i32
      %dma_wait3A_40 = tpu.memref_slice %arg5[%mul3A_21, %dma_wait3A_39] : memref<32x128xi32, #tpu.memory_space<vmem>> -> memref<1x128xi32, #tpu.memory_space<vmem>>
      %dma_wait3A_41 = tpu.memref_squeeze %dma_wait3A_40 : memref<1x128xi32, #tpu.memory_space<vmem>> -> memref<128xi32, #tpu.memory_space<vmem>>
      %dma_wait3A_42 = arith.constant 0 : i32
      %dma_wait3A_43 = arith.constant 0 : i32
      %dma_wait3A_44 = tpu.memref_slice %arg2[%dma_wait3A_42, %dma_wait3A_43] : memref<745472x128xf32, #tpu.memory_space<hbm>> -> memref<745472x128xf32, #tpu.memory_space<hbm>>
      tpu.wait_indirect_dma semaphore(%arg7 : memref<!tpu.dma_semaphore, #tpu.memory_space<semaphore_mem>>) src(%dma_wait3A_44 : memref<745472x128xf32, #tpu.memory_space<hbm>>) dst(%dma_wait3A_38 : memref<128x128xf32, #tpu.memory_space<vmem>>)
      %mul3A_45 = arith.constant 3328 : i32
      %mul3A_46 = arith.muli %add3A, %mul3A_45 : i32
      %mul3A_47 = arith.constant 128 : i32
      %mul3A_48 = arith.muli %mul3A_21, %mul3A_47 : i32
      %add3A_49 = arith.addi %mul3A_46, %mul3A_48 : i32
      %run_scoped3A = arith.constant 0 : i32
      "tpu.region"() ({
        %run_scoped3A_71 = tpu.sem_alloc : memref<!tpu.dma_semaphore, #tpu.memory_space<semaphore_mem>>
        %dma_start3A_72 = arith.constant 0 : i32
        %dma_start3A_73 = arith.constant 0 : i32
        %dma_start3A_74 = tpu.memref_slice %arg6[%run_scoped3A, %dma_start3A_72, %dma_start3A_73] : memref<2x128x128xf32, #tpu.memory_space<vmem>> -> memref<1x128x128xf32, #tpu.memory_space<vmem>>
        %dma_start3A_75 = tpu.memref_squeeze %dma_start3A_74 : memref<1x128x128xf32, #tpu.memory_space<vmem>> -> memref<128x128xf32, #tpu.memory_space<vmem>>
        %dma_start3A_76 = arith.constant 0 : i32
        %dma_start3A_77 = tpu.memref_slice %arg4[%add3A_49, %dma_start3A_76] : memref<106496x128xf32, #tpu.memory_space<hbm>> -> memref<128x128xf32, #tpu.memory_space<hbm>>
        %dma_start3A_78 = arith.constant 0 : i32
        %dma_start3A_79 = tpu.memref_slice %arg4[%add3A_49, %dma_start3A_78] : memref<106496x128xf32, #tpu.memory_space<hbm>> -> memref<128x128xf32, #tpu.memory_space<hbm>>
        %dma_start3A_80 = arith.constant 0 : i32
        %dma_start3A_81 = arith.constant 0 : i32
        %dma_start3A_82 = tpu.memref_slice %arg6[%run_scoped3A, %dma_start3A_80, %dma_start3A_81] : memref<2x128x128xf32, #tpu.memory_space<vmem>> -> memref<1x128x128xf32, #tpu.memory_space<vmem>>
        %dma_start3A_83 = tpu.memref_squeeze %dma_start3A_82 : memref<1x128x128xf32, #tpu.memory_space<vmem>> -> memref<128x128xf32, #tpu.memory_space<vmem>>
        tpu.enqueue_dma source(%dma_start3A_83 : memref<128x128xf32, #tpu.memory_space<vmem>>) target(%dma_start3A_79 : memref<128x128xf32, #tpu.memory_space<hbm>>) target_semaphore(%run_scoped3A_71 : memref<!tpu.dma_semaphore, #tpu.memory_space<semaphore_mem>>)
        %dma_wait3A_84 = arith.constant 0 : i32
        %dma_wait3A_85 = arith.constant 0 : i32
        %dma_wait3A_86 = tpu.memref_slice %arg6[%run_scoped3A, %dma_wait3A_84, %dma_wait3A_85] : memref<2x128x128xf32, #tpu.memory_space<vmem>> -> memref<1x128x128xf32, #tpu.memory_space<vmem>>
        %dma_wait3A_87 = tpu.memref_squeeze %dma_wait3A_86 : memref<1x128x128xf32, #tpu.memory_space<vmem>> -> memref<128x128xf32, #tpu.memory_space<vmem>>
        %dma_wait3A_88 = arith.constant 0 : i32
        %dma_wait3A_89 = tpu.memref_slice %arg4[%add3A_49, %dma_wait3A_88] : memref<106496x128xf32, #tpu.memory_space<hbm>> -> memref<128x128xf32, #tpu.memory_space<hbm>>
        %dma_wait3A_90 = arith.constant 0 : i32
        %dma_wait3A_91 = tpu.memref_slice %arg4[%add3A_49, %dma_wait3A_90] : memref<106496x128xf32, #tpu.memory_space<hbm>> -> memref<128x128xf32, #tpu.memory_space<hbm>>
        %dma_wait3A_92 = arith.constant 0 : i32
        %dma_wait3A_93 = arith.constant 0 : i32
        %dma_wait3A_94 = tpu.memref_slice %arg6[%run_scoped3A, %dma_wait3A_92, %dma_wait3A_93] : memref<2x128x128xf32, #tpu.memory_space<vmem>> -> memref<1x128x128xf32, #tpu.memory_space<vmem>>
        %dma_wait3A_95 = tpu.memref_squeeze %dma_wait3A_94 : memref<1x128x128xf32, #tpu.memory_space<vmem>> -> memref<128x128xf32, #tpu.memory_space<vmem>>
        tpu.wait_dma2 semaphore(%run_scoped3A_71 : memref<!tpu.dma_semaphore, #tpu.memory_space<semaphore_mem>>) src(%dma_wait3A_95 : memref<128x128xf32, #tpu.memory_space<vmem>>) dst(%dma_wait3A_91 : memref<128x128xf32, #tpu.memory_space<hbm>>)
        tpu.yield
      }) : () -> ()
      %add3A_50 = arith.constant 1 : i32
      %add3A_51 = arith.addi %add3A_23, %add3A_50 : i32
      %lt3A = arith.constant 26 : i32
      %lt3A_52 = arith.cmpi slt, %add3A_51, %lt3A : i32
      %convert_element_type3A = arith.extui %lt3A_52 : i1 to i32
      %cond3A = arith.constant 0 : i32
      %cond3A_53 = arith.cmpi ne, %convert_element_type3A, %cond3A : i32
      scf.if %cond3A_53 {
        %add3A_71 = arith.constant 1 : i32
        %add3A_72 = arith.addi %add3A_23, %add3A_71 : i32
        %dma_start3A_73 = arith.constant 0 : i32
        %dma_start3A_74 = arith.constant 0 : i32
        %dma_start3A_75 = arith.constant 0 : i32
        %dma_start3A_76 = tpu.memref_slice %arg6[%dma_start3A_73, %dma_start3A_74, %dma_start3A_75] : memref<2x128x128xf32, #tpu.memory_space<vmem>> -> memref<1x128x128xf32, #tpu.memory_space<vmem>>
        %dma_start3A_77 = tpu.memref_squeeze %dma_start3A_76 : memref<1x128x128xf32, #tpu.memory_space<vmem>> -> memref<128x128xf32, #tpu.memory_space<vmem>>
        %dma_start3A_78 = arith.constant 0 : i32
        %dma_start3A_79 = tpu.memref_slice %arg5[%add3A_72, %dma_start3A_78] : memref<32x128xi32, #tpu.memory_space<vmem>> -> memref<1x128xi32, #tpu.memory_space<vmem>>
        %dma_start3A_80 = tpu.memref_squeeze %dma_start3A_79 : memref<1x128xi32, #tpu.memory_space<vmem>> -> memref<128xi32, #tpu.memory_space<vmem>>
        %dma_start3A_81 = arith.constant 0 : i32
        %dma_start3A_82 = arith.constant 0 : i32
        %dma_start3A_83 = tpu.memref_slice %arg2[%dma_start3A_81, %dma_start3A_82] : memref<745472x128xf32, #tpu.memory_space<hbm>> -> memref<745472x128xf32, #tpu.memory_space<hbm>>
        tpu.enqueue_indirect_dma source(%dma_start3A_83 : memref<745472x128xf32, #tpu.memory_space<hbm>>) target(%dma_start3A_77 : memref<128x128xf32, #tpu.memory_space<vmem>>) offsets(%dma_start3A_80 : memref<128xi32, #tpu.memory_space<vmem>>) semaphore(%arg7 : memref<!tpu.dma_semaphore, #tpu.memory_space<semaphore_mem>>)
      } else {
      }
      %dma_wait3A_54 = arith.constant 1 : i32
      %dma_wait3A_55 = arith.constant 0 : i32
      %dma_wait3A_56 = arith.constant 0 : i32
      %dma_wait3A_57 = tpu.memref_slice %arg6[%dma_wait3A_54, %dma_wait3A_55, %dma_wait3A_56] : memref<2x128x128xf32, #tpu.memory_space<vmem>> -> memref<1x128x128xf32, #tpu.memory_space<vmem>>
      %dma_wait3A_58 = tpu.memref_squeeze %dma_wait3A_57 : memref<1x128x128xf32, #tpu.memory_space<vmem>> -> memref<128x128xf32, #tpu.memory_space<vmem>>
      %dma_wait3A_59 = arith.constant 0 : i32
      %dma_wait3A_60 = tpu.memref_slice %arg5[%add3A_23, %dma_wait3A_59] : memref<32x128xi32, #tpu.memory_space<vmem>> -> memref<1x128xi32, #tpu.memory_space<vmem>>
      %dma_wait3A_61 = tpu.memref_squeeze %dma_wait3A_60 : memref<1x128xi32, #tpu.memory_space<vmem>> -> memref<128xi32, #tpu.memory_space<vmem>>
      %dma_wait3A_62 = arith.constant 0 : i32
      %dma_wait3A_63 = arith.constant 0 : i32
      %dma_wait3A_64 = tpu.memref_slice %arg2[%dma_wait3A_62, %dma_wait3A_63] : memref<745472x128xf32, #tpu.memory_space<hbm>> -> memref<745472x128xf32, #tpu.memory_space<hbm>>
      tpu.wait_indirect_dma semaphore(%arg8 : memref<!tpu.dma_semaphore, #tpu.memory_space<semaphore_mem>>) src(%dma_wait3A_64 : memref<745472x128xf32, #tpu.memory_space<hbm>>) dst(%dma_wait3A_58 : memref<128x128xf32, #tpu.memory_space<vmem>>)
      %mul3A_65 = arith.constant 3328 : i32
      %mul3A_66 = arith.muli %add3A, %mul3A_65 : i32
      %mul3A_67 = arith.constant 128 : i32
      %mul3A_68 = arith.muli %add3A_23, %mul3A_67 : i32
      %add3A_69 = arith.addi %mul3A_66, %mul3A_68 : i32
      %run_scoped3A_70 = arith.constant 1 : i32
      "tpu.region"() ({
        %run_scoped3A_71 = tpu.sem_alloc : memref<!tpu.dma_semaphore, #tpu.memory_space<semaphore_mem>>
        %dma_start3A_72 = arith.constant 0 : i32
        %dma_start3A_73 = arith.constant 0 : i32
        %dma_start3A_74 = tpu.memref_slice %arg6[%run_scoped3A_70, %dma_start3A_72, %dma_start3A_73] : memref<2x128x128xf32, #tpu.memory_space<vmem>> -> memref<1x128x128xf32, #tpu.memory_space<vmem>>
        %dma_start3A_75 = tpu.memref_squeeze %dma_start3A_74 : memref<1x128x128xf32, #tpu.memory_space<vmem>> -> memref<128x128xf32, #tpu.memory_space<vmem>>
        %dma_start3A_76 = arith.constant 0 : i32
        %dma_start3A_77 = tpu.memref_slice %arg4[%add3A_69, %dma_start3A_76] : memref<106496x128xf32, #tpu.memory_space<hbm>> -> memref<128x128xf32, #tpu.memory_space<hbm>>
        %dma_start3A_78 = arith.constant 0 : i32
        %dma_start3A_79 = tpu.memref_slice %arg4[%add3A_69, %dma_start3A_78] : memref<106496x128xf32, #tpu.memory_space<hbm>> -> memref<128x128xf32, #tpu.memory_space<hbm>>
        %dma_start3A_80 = arith.constant 0 : i32
        %dma_start3A_81 = arith.constant 0 : i32
        %dma_start3A_82 = tpu.memref_slice %arg6[%run_scoped3A_70, %dma_start3A_80, %dma_start3A_81] : memref<2x128x128xf32, #tpu.memory_space<vmem>> -> memref<1x128x128xf32, #tpu.memory_space<vmem>>
        %dma_start3A_83 = tpu.memref_squeeze %dma_start3A_82 : memref<1x128x128xf32, #tpu.memory_space<vmem>> -> memref<128x128xf32, #tpu.memory_space<vmem>>
        tpu.enqueue_dma source(%dma_start3A_83 : memref<128x128xf32, #tpu.memory_space<vmem>>) target(%dma_start3A_79 : memref<128x128xf32, #tpu.memory_space<hbm>>) target_semaphore(%run_scoped3A_71 : memref<!tpu.dma_semaphore, #tpu.memory_space<semaphore_mem>>)
        %dma_wait3A_84 = arith.constant 0 : i32
        %dma_wait3A_85 = arith.constant 0 : i32
        %dma_wait3A_86 = tpu.memref_slice %arg6[%run_scoped3A_70, %dma_wait3A_84, %dma_wait3A_85] : memref<2x128x128xf32, #tpu.memory_space<vmem>> -> memref<1x128x128xf32, #tpu.memory_space<vmem>>
        %dma_wait3A_87 = tpu.memref_squeeze %dma_wait3A_86 : memref<1x128x128xf32, #tpu.memory_space<vmem>> -> memref<128x128xf32, #tpu.memory_space<vmem>>
        %dma_wait3A_88 = arith.constant 0 : i32
        %dma_wait3A_89 = tpu.memref_slice %arg4[%add3A_69, %dma_wait3A_88] : memref<106496x128xf32, #tpu.memory_space<hbm>> -> memref<128x128xf32, #tpu.memory_space<hbm>>
        %dma_wait3A_90 = arith.constant 0 : i32
        %dma_wait3A_91 = tpu.memref_slice %arg4[%add3A_69, %dma_wait3A_90] : memref<106496x128xf32, #tpu.memory_space<hbm>> -> memref<128x128xf32, #tpu.memory_space<hbm>>
        %dma_wait3A_92 = arith.constant 0 : i32
        %dma_wait3A_93 = arith.constant 0 : i32
        %dma_wait3A_94 = tpu.memref_slice %arg6[%run_scoped3A_70, %dma_wait3A_92, %dma_wait3A_93] : memref<2x128x128xf32, #tpu.memory_space<vmem>> -> memref<1x128x128xf32, #tpu.memory_space<vmem>>
        %dma_wait3A_95 = tpu.memref_squeeze %dma_wait3A_94 : memref<1x128x128xf32, #tpu.memory_space<vmem>> -> memref<128x128xf32, #tpu.memory_space<vmem>>
        tpu.wait_dma2 semaphore(%run_scoped3A_71 : memref<!tpu.dma_semaphore, #tpu.memory_space<semaphore_mem>>) src(%dma_wait3A_95 : memref<128x128xf32, #tpu.memory_space<vmem>>) dst(%dma_wait3A_91 : memref<128x128xf32, #tpu.memory_space<hbm>>)
        tpu.yield
      }) : () -> ()
    }
    %scan3A_18 = arith.constant 13 : i32
    return
  }
}

#map = affine_map<(d0, d1) -> (0)>
#map1 = affine_map<(d0, d1) -> (0, 0)>
module attributes {stable_mosaic.version = 14 : i64} {
  func.func @_sc_gather_fo_body(%arg0: i32, %arg1: i32, %arg2: memref<2600000xf32, #tpu.memory_space<hbm>>, %arg3: memref<1024x128xi32, #tpu.memory_space<hbm>>, %arg4: memref<1024x128xf32, #tpu.memory_space<hbm>>, %arg5: memref<32x128xi32, #tpu.memory_space<vmem>>, %arg6: memref<32x128xf32, #tpu.memory_space<vmem>>, %arg7: memref<!tpu.dma_semaphore, #tpu.memory_space<semaphore_mem>>) attributes {dimension_semantics = [#tpu.dimension_semantics<core_parallel>, #tpu.dimension_semantics<subcore_parallel>], iteration_bounds = array<i64: 2, 16>, scalar_prefetch = 0 : i64, scratch_operands = 3 : i64, tpu.core_type = #tpu.core_type<sc_vector_subcore>, window_params = [{transform_indices = #map}, {transform_indices = #map1}, {transform_indices = #map1}]} {
    %mul3A = arith.constant 2 : i32
    %mul3A_0 = arith.muli %arg1, %mul3A : i32
    %add3A = arith.addi %mul3A_0, %arg0 : i32
    %mul3A_1 = arith.constant 32 : i32
    %mul3A_2 = arith.muli %add3A, %mul3A_1 : i32
    "tpu.region"() ({
      %run_scoped3A = tpu.sem_alloc : memref<!tpu.dma_semaphore, #tpu.memory_space<semaphore_mem>>
      %dma_start3A = arith.constant 0 : i32
      %dma_start3A_10 = tpu.memref_slice %arg3[%mul3A_2, %dma_start3A] : memref<1024x128xi32, #tpu.memory_space<hbm>> -> memref<32x128xi32, #tpu.memory_space<hbm>>
      %dma_start3A_11 = arith.constant 0 : i32
      %dma_start3A_12 = tpu.memref_slice %arg3[%mul3A_2, %dma_start3A_11] : memref<1024x128xi32, #tpu.memory_space<hbm>> -> memref<32x128xi32, #tpu.memory_space<hbm>>
      tpu.enqueue_dma source(%dma_start3A_12 : memref<32x128xi32, #tpu.memory_space<hbm>>) target(%arg5 : memref<32x128xi32, #tpu.memory_space<vmem>>) target_semaphore(%run_scoped3A : memref<!tpu.dma_semaphore, #tpu.memory_space<semaphore_mem>>)
      %dma_wait3A = arith.constant 0 : i32
      %dma_wait3A_13 = tpu.memref_slice %arg3[%mul3A_2, %dma_wait3A] : memref<1024x128xi32, #tpu.memory_space<hbm>> -> memref<32x128xi32, #tpu.memory_space<hbm>>
      %dma_wait3A_14 = arith.constant 0 : i32
      %dma_wait3A_15 = tpu.memref_slice %arg3[%mul3A_2, %dma_wait3A_14] : memref<1024x128xi32, #tpu.memory_space<hbm>> -> memref<32x128xi32, #tpu.memory_space<hbm>>
      tpu.wait_dma2 semaphore(%run_scoped3A : memref<!tpu.dma_semaphore, #tpu.memory_space<semaphore_mem>>) src(%dma_wait3A_15 : memref<32x128xi32, #tpu.memory_space<hbm>>) dst(%arg5 : memref<32x128xi32, #tpu.memory_space<vmem>>)
      tpu.yield
    }) : () -> ()
    %scan3A = arith.constant 0 : i32
    %scan3A_3 = arith.constant 0 : i32
    %scan3A_4 = arith.constant 26 : i32
    %scan3A_5 = arith.addi %scan3A_3, %scan3A_4 : i32
    %scan3A_6 = arith.constant 1 : i32
    scf.for %scan3A_10 = %scan3A_3 to %scan3A_5 step %scan3A_6  : i32 {
      %dma_start3A = arith.constant 0 : i32
      %dma_start3A_11 = tpu.memref_slice %arg6[%scan3A_10, %dma_start3A] : memref<32x128xf32, #tpu.memory_space<vmem>> -> memref<1x128xf32, #tpu.memory_space<vmem>>
      %dma_start3A_12 = tpu.memref_squeeze %dma_start3A_11 : memref<1x128xf32, #tpu.memory_space<vmem>> -> memref<128xf32, #tpu.memory_space<vmem>>
      %dma_start3A_13 = arith.constant 0 : i32
      %dma_start3A_14 = tpu.memref_slice %arg5[%scan3A_10, %dma_start3A_13] : memref<32x128xi32, #tpu.memory_space<vmem>> -> memref<1x128xi32, #tpu.memory_space<vmem>>
      %dma_start3A_15 = tpu.memref_squeeze %dma_start3A_14 : memref<1x128xi32, #tpu.memory_space<vmem>> -> memref<128xi32, #tpu.memory_space<vmem>>
      %dma_start3A_16 = arith.constant 0 : i32
      %dma_start3A_17 = tpu.memref_slice %arg2[%dma_start3A_16] : memref<2600000xf32, #tpu.memory_space<hbm>> -> memref<2600000xf32, #tpu.memory_space<hbm>>
      tpu.enqueue_indirect_dma source(%dma_start3A_17 : memref<2600000xf32, #tpu.memory_space<hbm>>) target(%dma_start3A_12 : memref<128xf32, #tpu.memory_space<vmem>>) offsets(%dma_start3A_15 : memref<128xi32, #tpu.memory_space<vmem>>) semaphore(%arg7 : memref<!tpu.dma_semaphore, #tpu.memory_space<semaphore_mem>>)
      %dma_wait3A = arith.constant 0 : i32
      %dma_wait3A_18 = tpu.memref_slice %arg6[%scan3A_10, %dma_wait3A] : memref<32x128xf32, #tpu.memory_space<vmem>> -> memref<1x128xf32, #tpu.memory_space<vmem>>
      %dma_wait3A_19 = tpu.memref_squeeze %dma_wait3A_18 : memref<1x128xf32, #tpu.memory_space<vmem>> -> memref<128xf32, #tpu.memory_space<vmem>>
      %dma_wait3A_20 = arith.constant 0 : i32
      %dma_wait3A_21 = tpu.memref_slice %arg5[%scan3A_10, %dma_wait3A_20] : memref<32x128xi32, #tpu.memory_space<vmem>> -> memref<1x128xi32, #tpu.memory_space<vmem>>
      %dma_wait3A_22 = tpu.memref_squeeze %dma_wait3A_21 : memref<1x128xi32, #tpu.memory_space<vmem>> -> memref<128xi32, #tpu.memory_space<vmem>>
      %dma_wait3A_23 = arith.constant 0 : i32
      %dma_wait3A_24 = tpu.memref_slice %arg2[%dma_wait3A_23] : memref<2600000xf32, #tpu.memory_space<hbm>> -> memref<2600000xf32, #tpu.memory_space<hbm>>
      tpu.wait_indirect_dma semaphore(%arg7 : memref<!tpu.dma_semaphore, #tpu.memory_space<semaphore_mem>>) src(%dma_wait3A_24 : memref<2600000xf32, #tpu.memory_space<hbm>>) dst(%dma_wait3A_19 : memref<128xf32, #tpu.memory_space<vmem>>)
    }
    %scan3A_7 = arith.constant 26 : i32
    %mul3A_8 = arith.constant 32 : i32
    %mul3A_9 = arith.muli %add3A, %mul3A_8 : i32
    "tpu.region"() ({
      %run_scoped3A = tpu.sem_alloc : memref<!tpu.dma_semaphore, #tpu.memory_space<semaphore_mem>>
      %dma_start3A = arith.constant 0 : i32
      %dma_start3A_10 = tpu.memref_slice %arg4[%mul3A_9, %dma_start3A] : memref<1024x128xf32, #tpu.memory_space<hbm>> -> memref<32x128xf32, #tpu.memory_space<hbm>>
      %dma_start3A_11 = arith.constant 0 : i32
      %dma_start3A_12 = tpu.memref_slice %arg4[%mul3A_9, %dma_start3A_11] : memref<1024x128xf32, #tpu.memory_space<hbm>> -> memref<32x128xf32, #tpu.memory_space<hbm>>
      tpu.enqueue_dma source(%arg6 : memref<32x128xf32, #tpu.memory_space<vmem>>) target(%dma_start3A_12 : memref<32x128xf32, #tpu.memory_space<hbm>>) target_semaphore(%run_scoped3A : memref<!tpu.dma_semaphore, #tpu.memory_space<semaphore_mem>>)
      %dma_wait3A = arith.constant 0 : i32
      %dma_wait3A_13 = tpu.memref_slice %arg4[%mul3A_9, %dma_wait3A] : memref<1024x128xf32, #tpu.memory_space<hbm>> -> memref<32x128xf32, #tpu.memory_space<hbm>>
      %dma_wait3A_14 = arith.constant 0 : i32
      %dma_wait3A_15 = tpu.memref_slice %arg4[%mul3A_9, %dma_wait3A_14] : memref<1024x128xf32, #tpu.memory_space<hbm>> -> memref<32x128xf32, #tpu.memory_space<hbm>>
      tpu.wait_dma2 semaphore(%run_scoped3A : memref<!tpu.dma_semaphore, #tpu.memory_space<semaphore_mem>>) src(%arg6 : memref<32x128xf32, #tpu.memory_space<vmem>>) dst(%dma_wait3A_15 : memref<32x128xf32, #tpu.memory_space<hbm>>)
      tpu.yield
    }) : () -> ()
    return
  }
}

module attributes {stable_mosaic.version = 14 : i64} {
  func.func @_pack_body(%arg0: i32, %arg1: i32, %arg2: memref<1x64x16384xf32, #tpu.memory_space<vmem>>, %arg3: memref<4096x128xf32, #tpu.memory_space<vmem>>) attributes {dimension_semantics = [#tpu.dimension_semantics<arbitrary>, #tpu.dimension_semantics<arbitrary>], iteration_bounds = array<i64: 26, 7>, scalar_prefetch = 0 : i64, scratch_operands = 0 : i64, tpu.core_type = #tpu.core_type<tc>, window_params = [{transform_indices = @transform_0, window_bounds = array<i64: 1, 64, 16384>}, {transform_indices = @transform_1, window_bounds = array<i64: 4096, 128>}]} {
    %get3A = arith.constant 0 : index
    %get3A_0 = arith.constant 0 : index
    %get3A_1 = arith.constant 0 : index
    %get3A_2 = vector.load %arg2[%get3A, %get3A_0, %get3A_1] : memref<1x64x16384xf32, #tpu.memory_space<vmem>>, vector<1x64x16384xf32>
    %get3A_3 = vector.shape_cast %get3A_2 : vector<1x64x16384xf32> to vector<64x16384xf32>
    %convert_element_type3A = arith.truncf %get3A_3 : vector<64x16384xf32> to vector<64x16384xbf16>
    %slice3A = vector.extract_strided_slice %convert_element_type3A {offsets = [0, 0], sizes = [64, 4096], strides = [1, 1]} : vector<64x16384xbf16> to vector<64x4096xbf16>
    %transpose3A = tpu.transpose %slice3A, [1, 0] : vector<64x4096xbf16> -> vector<4096x64xbf16>
    %slice3A_4 = vector.extract_strided_slice %convert_element_type3A {offsets = [0, 4096], sizes = [64, 4096], strides = [1, 1]} : vector<64x16384xbf16> to vector<64x4096xbf16>
    %transpose3A_5 = tpu.transpose %slice3A_4, [1, 0] : vector<64x4096xbf16> -> vector<4096x64xbf16>
    %slice3A_6 = vector.extract_strided_slice %convert_element_type3A {offsets = [0, 8192], sizes = [64, 4096], strides = [1, 1]} : vector<64x16384xbf16> to vector<64x4096xbf16>
    %transpose3A_7 = tpu.transpose %slice3A_6, [1, 0] : vector<64x4096xbf16> -> vector<4096x64xbf16>
    %slice3A_8 = vector.extract_strided_slice %convert_element_type3A {offsets = [0, 12288], sizes = [64, 4096], strides = [1, 1]} : vector<64x16384xbf16> to vector<64x4096xbf16>
    %transpose3A_9 = tpu.transpose %slice3A_8, [1, 0] : vector<64x4096xbf16> -> vector<4096x64xbf16>
    %bitcast_convert_type3A = tpu.bitcast %transpose3A : vector<4096x64xbf16> -> vector<4096x64xi16>
    %convert_element_type3A_10 = arith.extui %bitcast_convert_type3A : vector<4096x64xi16> to vector<4096x64xi32>
    %bitcast_convert_type3A_11 = tpu.bitcast %transpose3A_5 : vector<4096x64xbf16> -> vector<4096x64xi16>
    %convert_element_type3A_12 = arith.extui %bitcast_convert_type3A_11 : vector<4096x64xi16> to vector<4096x64xi32>
    %shift_left3A = arith.constant 16 : i32
    %shift_left3A_13 = vector.broadcast %shift_left3A : i32 to vector<4096x64xi32>
    %shift_left3A_14 = arith.shli %convert_element_type3A_12, %shift_left3A_13 : vector<4096x64xi32>
    %or3A = arith.ori %convert_element_type3A_10, %shift_left3A_14 : vector<4096x64xi32>
    %bitcast_convert_type3A_15 = tpu.bitcast %or3A : vector<4096x64xi32> -> vector<4096x64xf32>
    %bitcast_convert_type3A_16 = tpu.bitcast %transpose3A_7 : vector<4096x64xbf16> -> vector<4096x64xi16>
    %convert_element_type3A_17 = arith.extui %bitcast_convert_type3A_16 : vector<4096x64xi16> to vector<4096x64xi32>
    %bitcast_convert_type3A_18 = tpu.bitcast %transpose3A_9 : vector<4096x64xbf16> -> vector<4096x64xi16>
    %convert_element_type3A_19 = arith.extui %bitcast_convert_type3A_18 : vector<4096x64xi16> to vector<4096x64xi32>
    %shift_left3A_20 = arith.constant 16 : i32
    %shift_left3A_21 = vector.broadcast %shift_left3A_20 : i32 to vector<4096x64xi32>
    %shift_left3A_22 = arith.shli %convert_element_type3A_19, %shift_left3A_21 : vector<4096x64xi32>
    %or3A_23 = arith.ori %convert_element_type3A_17, %shift_left3A_22 : vector<4096x64xi32>
    %bitcast_convert_type3A_24 = tpu.bitcast %or3A_23 : vector<4096x64xi32> -> vector<4096x64xf32>
    %concatenate3A = tpu.concatenate %bitcast_convert_type3A_15, %bitcast_convert_type3A_24 in 1 : vector<4096x64xf32>, vector<4096x64xf32> -> vector<4096x128xf32>
    %swap3A = arith.constant 0 : index
    %swap3A_25 = arith.constant 0 : index
    %swap3A_26 = vector.load %arg3[%swap3A, %swap3A_25] : memref<4096x128xf32, #tpu.memory_space<vmem>>, vector<4096x128xf32>
    tpu.vector_store %arg3[%swap3A, %swap3A_25], %concatenate3A {strides = array<i32>} : memref<4096x128xf32, #tpu.memory_space<vmem>>, vector<4096x128xf32>,
    return
  }
  func.func @transform_0(%arg0: i32, %arg1: i32) -> (i32, i32, i32) {
    %c0_i32 = arith.constant 0 : i32
    %c0_i32_0 = arith.constant 0 : i32
    return %arg0, %c0_i32, %arg1 : i32, i32, i32
  }
  func.func @transform_1(%arg0: i32, %arg1: i32) -> (i32, i32) {
    %mul3A = arith.constant 7 : i32
    %mul3A_0 = arith.muli %arg0, %mul3A : i32
    %add3A = arith.addi %mul3A_0, %arg1 : i32
    %c0_i32 = arith.constant 0 : i32
    %c0_i32_1 = arith.constant 0 : i32
    return %add3A, %c0_i32 : i32, i32
  }
}

module attributes {stable_mosaic.version = 14 : i64} {
  func.func @_tc_body(%arg0: i32, %arg1: memref<512x3328xf32, #tpu.memory_space<vmem>>, %arg2: memref<512x26xf32, #tpu.memory_space<vmem>>, %arg3: memref<512x26xf32, #tpu.memory_space<vmem>>, %arg4: memref<512x26xf32, #tpu.memory_space<vmem>>, %arg5: memref<512x13xf32, #tpu.memory_space<vmem>>, %arg6: memref<1x13xf32, #tpu.memory_space<vmem>>, %arg7: memref<1x1xf32, #tpu.memory_space<vmem>>, %arg8: memref<20800x256xbf16, #tpu.memory_space<vmem>>, %arg9: memref<1x256xf32, #tpu.memory_space<vmem>>, %arg10: memref<256x256xf32, #tpu.memory_space<vmem>>, %arg11: memref<1x256xf32, #tpu.memory_space<vmem>>, %arg12: memref<256x256xf32, #tpu.memory_space<vmem>>, %arg13: memref<1x256xf32, #tpu.memory_space<vmem>>, %arg14: memref<256x1xf32, #tpu.memory_space<vmem>>, %arg15: memref<1x1xf32, #tpu.memory_space<vmem>>, %arg16: memref<1x1xf32, #tpu.memory_space<vmem>>, %arg17: memref<1x1xf32, #tpu.memory_space<vmem>>, %arg18: memref<1x1xf32, #tpu.memory_space<vmem>>, %arg19: memref<1x1xf32, #tpu.memory_space<vmem>>, %arg20: memref<512x1xf32, #tpu.memory_space<vmem>>, %arg21: memref<512x1xf32, #tpu.memory_space<vmem>>) attributes {dimension_semantics = [#tpu.dimension_semantics<arbitrary>], iteration_bounds = array<i64: 8>, scalar_prefetch = 0 : i64, scratch_operands = 0 : i64, tpu.core_type = #tpu.core_type<tc>, window_params = [{transform_indices = @transform_0, window_bounds = array<i64: 512, 3328>}, {transform_indices = @transform_1, window_bounds = array<i64: 512, 26>}, {transform_indices = @transform_2, window_bounds = array<i64: 512, 26>}, {transform_indices = @transform_3, window_bounds = array<i64: 512, 26>}, {transform_indices = @transform_4, window_bounds = array<i64: 512, 13>}, {pipeline_mode = #tpu.pipeline_mode<synchronous>, transform_indices = @transform_5, window_bounds = array<i64: 1, 13>}, {pipeline_mode = #tpu.pipeline_mode<synchronous>, transform_indices = @transform_6, window_bounds = array<i64: 1, 1>}, {pipeline_mode = #tpu.pipeline_mode<synchronous>, transform_indices = @transform_7, window_bounds = array<i64: 20800, 256>}, {pipeline_mode = #tpu.pipeline_mode<synchronous>, transform_indices = @transform_8, window_bounds = array<i64: 1, 256>}, {pipeline_mode = #tpu.pipeline_mode<synchronous>, transform_indices = @transform_9, window_bounds = array<i64: 256, 256>}, {pipeline_mode = #tpu.pipeline_mode<synchronous>, transform_indices = @transform_10, window_bounds = array<i64: 1, 256>}, {pipeline_mode = #tpu.pipeline_mode<synchronous>, transform_indices = @transform_11, window_bounds = array<i64: 256, 256>}, {pipeline_mode = #tpu.pipeline_mode<synchronous>, transform_indices = @transform_12, window_bounds = array<i64: 1, 256>}, {pipeline_mode = #tpu.pipeline_mode<synchronous>, transform_indices = @transform_13, window_bounds = array<i64: 256, 1>}, {pipeline_mode = #tpu.pipeline_mode<synchronous>, transform_indices = @transform_14, window_bounds = array<i64: 1, 1>}, {pipeline_mode = #tpu.pipeline_mode<synchronous>, transform_indices = @transform_15, window_bounds = array<i64: 1, 1>}, {pipeline_mode = #tpu.pipeline_mode<synchronous>, transform_indices = @transform_16, window_bounds = array<i64: 1, 1>}, {pipeline_mode = #tpu.pipeline_mode<synchronous>, transform_indices = @transform_17, window_bounds = array<i64: 1, 1>}, {pipeline_mode = #tpu.pipeline_mode<synchronous>, transform_indices = @transform_18, window_bounds = array<i64: 1, 1>}, {transform_indices = @transform_19, window_bounds = array<i64: 512, 1>}, {transform_indices = @transform_20, window_bounds = array<i64: 512, 1>}]} {
    %get3A = arith.constant 0 : index
    %get3A_0 = arith.constant 0 : index
    %get3A_1 = vector.load %arg1[%get3A, %get3A_0] : memref<512x3328xf32, #tpu.memory_space<vmem>>, vector<512x3328xf32>
    %bitcast_convert_type3A = tpu.bitcast %get3A_1 : vector<512x3328xf32> -> vector<512x3328xi32>
    %get3A_2 = arith.constant 0 : index
    %get3A_3 = arith.constant 0 : index
    %get3A_4 = vector.load %arg2[%get3A_2, %get3A_3] : memref<512x26xf32, #tpu.memory_space<vmem>>, vector<512x26xf32>
    %get3A_5 = arith.constant 0 : index
    %get3A_6 = arith.constant 0 : index
    %get3A_7 = vector.load %arg3[%get3A_5, %get3A_6] : memref<512x26xf32, #tpu.memory_space<vmem>>, vector<512x26xf32>
    %slice3A = vector.extract_strided_slice %bitcast_convert_type3A {offsets = [0, 0], sizes = [512, 64], strides = [1, 1]} : vector<512x3328xi32> to vector<512x64xi32>
    %slice3A_8 = vector.extract_strided_slice %bitcast_convert_type3A {offsets = [0, 64], sizes = [512, 64], strides = [1, 1]} : vector<512x3328xi32> to vector<512x64xi32>
    %slice3A_9 = vector.extract_strided_slice %get3A_4 {offsets = [0, 0], sizes = [512, 1], strides = [1, 1]} : vector<512x26xf32> to vector<512x1xf32>
    %gt3A = arith.constant 5.000000e-01 : f32
    %gt3A_10 = vector.broadcast %gt3A : f32 to vector<512x1xf32>
    %gt3A_11 = arith.cmpf ogt, %slice3A_9, %gt3A_10 : vector<512x1xf32>
    %broadcast_in_dim3A = vector.shape_cast %gt3A_11 : vector<512x1xi1> to vector<512x1xi1>
    %broadcast_in_dim3A_12 = vector.broadcast %broadcast_in_dim3A : vector<512x1xi1> to vector<512x64xi1>
    %select_n3A = arith.select %broadcast_in_dim3A_12, %slice3A_8, %slice3A : vector<512x64xi1>, vector<512x64xi32>
    %shift_left3A = arith.constant 16 : i32
    %shift_left3A_13 = vector.broadcast %shift_left3A : i32 to vector<512x64xi32>
    %shift_left3A_14 = arith.shli %select_n3A, %shift_left3A_13 : vector<512x64xi32>
    %bitcast_convert_type3A_15 = tpu.bitcast %shift_left3A_14 : vector<512x64xi32> -> vector<512x64xf32>
    %and3A = arith.constant -65536 : i32
    %and3A_16 = vector.broadcast %and3A : i32 to vector<512x64xi32>
    %and3A_17 = arith.andi %select_n3A, %and3A_16 : vector<512x64xi32>
    %bitcast_convert_type3A_18 = tpu.bitcast %and3A_17 : vector<512x64xi32> -> vector<512x64xf32>
    %slice3A_19 = vector.extract_strided_slice %get3A_7 {offsets = [0, 0], sizes = [512, 1], strides = [1, 1]} : vector<512x26xf32> to vector<512x1xf32>
    %gt3A_20 = arith.constant 5.000000e-01 : f32
    %gt3A_21 = vector.broadcast %gt3A_20 : f32 to vector<512x1xf32>
    %gt3A_22 = arith.cmpf ogt, %slice3A_19, %gt3A_21 : vector<512x1xf32>
    %broadcast_in_dim3A_23 = vector.shape_cast %gt3A_22 : vector<512x1xi1> to vector<512x1xi1>
    %broadcast_in_dim3A_24 = vector.broadcast %broadcast_in_dim3A_23 : vector<512x1xi1> to vector<512x64xi1>
    %select_n3A_25 = arith.select %broadcast_in_dim3A_24, %bitcast_convert_type3A_18, %bitcast_convert_type3A_15 : vector<512x64xi1>, vector<512x64xf32>
    %slice3A_26 = vector.extract_strided_slice %bitcast_convert_type3A {offsets = [0, 128], sizes = [512, 64], strides = [1, 1]} : vector<512x3328xi32> to vector<512x64xi32>
    %slice3A_27 = vector.extract_strided_slice %bitcast_convert_type3A {offsets = [0, 192], sizes = [512, 64], strides = [1, 1]} : vector<512x3328xi32> to vector<512x64xi32>
    %slice3A_28 = vector.extract_strided_slice %get3A_4 {offsets = [0, 1], sizes = [512, 1], strides = [1, 1]} : vector<512x26xf32> to vector<512x1xf32>
    %gt3A_29 = arith.constant 5.000000e-01 : f32
    %gt3A_30 = vector.broadcast %gt3A_29 : f32 to vector<512x1xf32>
    %gt3A_31 = arith.cmpf ogt, %slice3A_28, %gt3A_30 : vector<512x1xf32>
    %broadcast_in_dim3A_32 = vector.shape_cast %gt3A_31 : vector<512x1xi1> to vector<512x1xi1>
    %broadcast_in_dim3A_33 = vector.broadcast %broadcast_in_dim3A_32 : vector<512x1xi1> to vector<512x64xi1>
    %select_n3A_34 = arith.select %broadcast_in_dim3A_33, %slice3A_27, %slice3A_26 : vector<512x64xi1>, vector<512x64xi32>
    %shift_left3A_35 = arith.constant 16 : i32
    %shift_left3A_36 = vector.broadcast %shift_left3A_35 : i32 to vector<512x64xi32>
    %shift_left3A_37 = arith.shli %select_n3A_34, %shift_left3A_36 : vector<512x64xi32>
    %bitcast_convert_type3A_38 = tpu.bitcast %shift_left3A_37 : vector<512x64xi32> -> vector<512x64xf32>
    %and3A_39 = arith.constant -65536 : i32
    %and3A_40 = vector.broadcast %and3A_39 : i32 to vector<512x64xi32>
    %and3A_41 = arith.andi %select_n3A_34, %and3A_40 : vector<512x64xi32>
    %bitcast_convert_type3A_42 = tpu.bitcast %and3A_41 : vector<512x64xi32> -> vector<512x64xf32>
    %slice3A_43 = vector.extract_strided_slice %get3A_7 {offsets = [0, 1], sizes = [512, 1], strides = [1, 1]} : vector<512x26xf32> to vector<512x1xf32>
    %gt3A_44 = arith.constant 5.000000e-01 : f32
    %gt3A_45 = vector.broadcast %gt3A_44 : f32 to vector<512x1xf32>
    %gt3A_46 = arith.cmpf ogt, %slice3A_43, %gt3A_45 : vector<512x1xf32>
    %broadcast_in_dim3A_47 = vector.shape_cast %gt3A_46 : vector<512x1xi1> to vector<512x1xi1>
    %broadcast_in_dim3A_48 = vector.broadcast %broadcast_in_dim3A_47 : vector<512x1xi1> to vector<512x64xi1>
    %select_n3A_49 = arith.select %broadcast_in_dim3A_48, %bitcast_convert_type3A_42, %bitcast_convert_type3A_38 : vector<512x64xi1>, vector<512x64xf32>
    %slice3A_50 = vector.extract_strided_slice %bitcast_convert_type3A {offsets = [0, 256], sizes = [512, 64], strides = [1, 1]} : vector<512x3328xi32> to vector<512x64xi32>
    %slice3A_51 = vector.extract_strided_slice %bitcast_convert_type3A {offsets = [0, 320], sizes = [512, 64], strides = [1, 1]} : vector<512x3328xi32> to vector<512x64xi32>
    %slice3A_52 = vector.extract_strided_slice %get3A_4 {offsets = [0, 2], sizes = [512, 1], strides = [1, 1]} : vector<512x26xf32> to vector<512x1xf32>
    %gt3A_53 = arith.constant 5.000000e-01 : f32
    %gt3A_54 = vector.broadcast %gt3A_53 : f32 to vector<512x1xf32>
    %gt3A_55 = arith.cmpf ogt, %slice3A_52, %gt3A_54 : vector<512x1xf32>
    %broadcast_in_dim3A_56 = vector.shape_cast %gt3A_55 : vector<512x1xi1> to vector<512x1xi1>
    %broadcast_in_dim3A_57 = vector.broadcast %broadcast_in_dim3A_56 : vector<512x1xi1> to vector<512x64xi1>
    %select_n3A_58 = arith.select %broadcast_in_dim3A_57, %slice3A_51, %slice3A_50 : vector<512x64xi1>, vector<512x64xi32>
    %shift_left3A_59 = arith.constant 16 : i32
    %shift_left3A_60 = vector.broadcast %shift_left3A_59 : i32 to vector<512x64xi32>
    %shift_left3A_61 = arith.shli %select_n3A_58, %shift_left3A_60 : vector<512x64xi32>
    %bitcast_convert_type3A_62 = tpu.bitcast %shift_left3A_61 : vector<512x64xi32> -> vector<512x64xf32>
    %and3A_63 = arith.constant -65536 : i32
    %and3A_64 = vector.broadcast %and3A_63 : i32 to vector<512x64xi32>
    %and3A_65 = arith.andi %select_n3A_58, %and3A_64 : vector<512x64xi32>
    %bitcast_convert_type3A_66 = tpu.bitcast %and3A_65 : vector<512x64xi32> -> vector<512x64xf32>
    %slice3A_67 = vector.extract_strided_slice %get3A_7 {offsets = [0, 2], sizes = [512, 1], strides = [1, 1]} : vector<512x26xf32> to vector<512x1xf32>
    %gt3A_68 = arith.constant 5.000000e-01 : f32
    %gt3A_69 = vector.broadcast %gt3A_68 : f32 to vector<512x1xf32>
    %gt3A_70 = arith.cmpf ogt, %slice3A_67, %gt3A_69 : vector<512x1xf32>
    %broadcast_in_dim3A_71 = vector.shape_cast %gt3A_70 : vector<512x1xi1> to vector<512x1xi1>
    %broadcast_in_dim3A_72 = vector.broadcast %broadcast_in_dim3A_71 : vector<512x1xi1> to vector<512x64xi1>
    %select_n3A_73 = arith.select %broadcast_in_dim3A_72, %bitcast_convert_type3A_66, %bitcast_convert_type3A_62 : vector<512x64xi1>, vector<512x64xf32>
    %slice3A_74 = vector.extract_strided_slice %bitcast_convert_type3A {offsets = [0, 384], sizes = [512, 64], strides = [1, 1]} : vector<512x3328xi32> to vector<512x64xi32>
    %slice3A_75 = vector.extract_strided_slice %bitcast_convert_type3A {offsets = [0, 448], sizes = [512, 64], strides = [1, 1]} : vector<512x3328xi32> to vector<512x64xi32>
    %slice3A_76 = vector.extract_strided_slice %get3A_4 {offsets = [0, 3], sizes = [512, 1], strides = [1, 1]} : vector<512x26xf32> to vector<512x1xf32>
    %gt3A_77 = arith.constant 5.000000e-01 : f32
    %gt3A_78 = vector.broadcast %gt3A_77 : f32 to vector<512x1xf32>
    %gt3A_79 = arith.cmpf ogt, %slice3A_76, %gt3A_78 : vector<512x1xf32>
    %broadcast_in_dim3A_80 = vector.shape_cast %gt3A_79 : vector<512x1xi1> to vector<512x1xi1>
    %broadcast_in_dim3A_81 = vector.broadcast %broadcast_in_dim3A_80 : vector<512x1xi1> to vector<512x64xi1>
    %select_n3A_82 = arith.select %broadcast_in_dim3A_81, %slice3A_75, %slice3A_74 : vector<512x64xi1>, vector<512x64xi32>
    %shift_left3A_83 = arith.constant 16 : i32
    %shift_left3A_84 = vector.broadcast %shift_left3A_83 : i32 to vector<512x64xi32>
    %shift_left3A_85 = arith.shli %select_n3A_82, %shift_left3A_84 : vector<512x64xi32>
    %bitcast_convert_type3A_86 = tpu.bitcast %shift_left3A_85 : vector<512x64xi32> -> vector<512x64xf32>
    %and3A_87 = arith.constant -65536 : i32
    %and3A_88 = vector.broadcast %and3A_87 : i32 to vector<512x64xi32>
    %and3A_89 = arith.andi %select_n3A_82, %and3A_88 : vector<512x64xi32>
    %bitcast_convert_type3A_90 = tpu.bitcast %and3A_89 : vector<512x64xi32> -> vector<512x64xf32>
    %slice3A_91 = vector.extract_strided_slice %get3A_7 {offsets = [0, 3], sizes = [512, 1], strides = [1, 1]} : vector<512x26xf32> to vector<512x1xf32>
    %gt3A_92 = arith.constant 5.000000e-01 : f32
    %gt3A_93 = vector.broadcast %gt3A_92 : f32 to vector<512x1xf32>
    %gt3A_94 = arith.cmpf ogt, %slice3A_91, %gt3A_93 : vector<512x1xf32>
    %broadcast_in_dim3A_95 = vector.shape_cast %gt3A_94 : vector<512x1xi1> to vector<512x1xi1>
    %broadcast_in_dim3A_96 = vector.broadcast %broadcast_in_dim3A_95 : vector<512x1xi1> to vector<512x64xi1>
    %select_n3A_97 = arith.select %broadcast_in_dim3A_96, %bitcast_convert_type3A_90, %bitcast_convert_type3A_86 : vector<512x64xi1>, vector<512x64xf32>
    %slice3A_98 = vector.extract_strided_slice %bitcast_convert_type3A {offsets = [0, 512], sizes = [512, 64], strides = [1, 1]} : vector<512x3328xi32> to vector<512x64xi32>
    %slice3A_99 = vector.extract_strided_slice %bitcast_convert_type3A {offsets = [0, 576], sizes = [512, 64], strides = [1, 1]} : vector<512x3328xi32> to vector<512x64xi32>
    %slice3A_100 = vector.extract_strided_slice %get3A_4 {offsets = [0, 4], sizes = [512, 1], strides = [1, 1]} : vector<512x26xf32> to vector<512x1xf32>
    %gt3A_101 = arith.constant 5.000000e-01 : f32
    %gt3A_102 = vector.broadcast %gt3A_101 : f32 to vector<512x1xf32>
    %gt3A_103 = arith.cmpf ogt, %slice3A_100, %gt3A_102 : vector<512x1xf32>
    %broadcast_in_dim3A_104 = vector.shape_cast %gt3A_103 : vector<512x1xi1> to vector<512x1xi1>
    %broadcast_in_dim3A_105 = vector.broadcast %broadcast_in_dim3A_104 : vector<512x1xi1> to vector<512x64xi1>
    %select_n3A_106 = arith.select %broadcast_in_dim3A_105, %slice3A_99, %slice3A_98 : vector<512x64xi1>, vector<512x64xi32>
    %shift_left3A_107 = arith.constant 16 : i32
    %shift_left3A_108 = vector.broadcast %shift_left3A_107 : i32 to vector<512x64xi32>
    %shift_left3A_109 = arith.shli %select_n3A_106, %shift_left3A_108 : vector<512x64xi32>
    %bitcast_convert_type3A_110 = tpu.bitcast %shift_left3A_109 : vector<512x64xi32> -> vector<512x64xf32>
    %and3A_111 = arith.constant -65536 : i32
    %and3A_112 = vector.broadcast %and3A_111 : i32 to vector<512x64xi32>
    %and3A_113 = arith.andi %select_n3A_106, %and3A_112 : vector<512x64xi32>
    %bitcast_convert_type3A_114 = tpu.bitcast %and3A_113 : vector<512x64xi32> -> vector<512x64xf32>
    %slice3A_115 = vector.extract_strided_slice %get3A_7 {offsets = [0, 4], sizes = [512, 1], strides = [1, 1]} : vector<512x26xf32> to vector<512x1xf32>
    %gt3A_116 = arith.constant 5.000000e-01 : f32
    %gt3A_117 = vector.broadcast %gt3A_116 : f32 to vector<512x1xf32>
    %gt3A_118 = arith.cmpf ogt, %slice3A_115, %gt3A_117 : vector<512x1xf32>
    %broadcast_in_dim3A_119 = vector.shape_cast %gt3A_118 : vector<512x1xi1> to vector<512x1xi1>
    %broadcast_in_dim3A_120 = vector.broadcast %broadcast_in_dim3A_119 : vector<512x1xi1> to vector<512x64xi1>
    %select_n3A_121 = arith.select %broadcast_in_dim3A_120, %bitcast_convert_type3A_114, %bitcast_convert_type3A_110 : vector<512x64xi1>, vector<512x64xf32>
    %slice3A_122 = vector.extract_strided_slice %bitcast_convert_type3A {offsets = [0, 640], sizes = [512, 64], strides = [1, 1]} : vector<512x3328xi32> to vector<512x64xi32>
    %slice3A_123 = vector.extract_strided_slice %bitcast_convert_type3A {offsets = [0, 704], sizes = [512, 64], strides = [1, 1]} : vector<512x3328xi32> to vector<512x64xi32>
    %slice3A_124 = vector.extract_strided_slice %get3A_4 {offsets = [0, 5], sizes = [512, 1], strides = [1, 1]} : vector<512x26xf32> to vector<512x1xf32>
    %gt3A_125 = arith.constant 5.000000e-01 : f32
    %gt3A_126 = vector.broadcast %gt3A_125 : f32 to vector<512x1xf32>
    %gt3A_127 = arith.cmpf ogt, %slice3A_124, %gt3A_126 : vector<512x1xf32>
    %broadcast_in_dim3A_128 = vector.shape_cast %gt3A_127 : vector<512x1xi1> to vector<512x1xi1>
    %broadcast_in_dim3A_129 = vector.broadcast %broadcast_in_dim3A_128 : vector<512x1xi1> to vector<512x64xi1>
    %select_n3A_130 = arith.select %broadcast_in_dim3A_129, %slice3A_123, %slice3A_122 : vector<512x64xi1>, vector<512x64xi32>
    %shift_left3A_131 = arith.constant 16 : i32
    %shift_left3A_132 = vector.broadcast %shift_left3A_131 : i32 to vector<512x64xi32>
    %shift_left3A_133 = arith.shli %select_n3A_130, %shift_left3A_132 : vector<512x64xi32>
    %bitcast_convert_type3A_134 = tpu.bitcast %shift_left3A_133 : vector<512x64xi32> -> vector<512x64xf32>
    %and3A_135 = arith.constant -65536 : i32
    %and3A_136 = vector.broadcast %and3A_135 : i32 to vector<512x64xi32>
    %and3A_137 = arith.andi %select_n3A_130, %and3A_136 : vector<512x64xi32>
    %bitcast_convert_type3A_138 = tpu.bitcast %and3A_137 : vector<512x64xi32> -> vector<512x64xf32>
    %slice3A_139 = vector.extract_strided_slice %get3A_7 {offsets = [0, 5], sizes = [512, 1], strides = [1, 1]} : vector<512x26xf32> to vector<512x1xf32>
    %gt3A_140 = arith.constant 5.000000e-01 : f32
    %gt3A_141 = vector.broadcast %gt3A_140 : f32 to vector<512x1xf32>
    %gt3A_142 = arith.cmpf ogt, %slice3A_139, %gt3A_141 : vector<512x1xf32>
    %broadcast_in_dim3A_143 = vector.shape_cast %gt3A_142 : vector<512x1xi1> to vector<512x1xi1>
    %broadcast_in_dim3A_144 = vector.broadcast %broadcast_in_dim3A_143 : vector<512x1xi1> to vector<512x64xi1>
    %select_n3A_145 = arith.select %broadcast_in_dim3A_144, %bitcast_convert_type3A_138, %bitcast_convert_type3A_134 : vector<512x64xi1>, vector<512x64xf32>
    %slice3A_146 = vector.extract_strided_slice %bitcast_convert_type3A {offsets = [0, 768], sizes = [512, 64], strides = [1, 1]} : vector<512x3328xi32> to vector<512x64xi32>
    %slice3A_147 = vector.extract_strided_slice %bitcast_convert_type3A {offsets = [0, 832], sizes = [512, 64], strides = [1, 1]} : vector<512x3328xi32> to vector<512x64xi32>
    %slice3A_148 = vector.extract_strided_slice %get3A_4 {offsets = [0, 6], sizes = [512, 1], strides = [1, 1]} : vector<512x26xf32> to vector<512x1xf32>
    %gt3A_149 = arith.constant 5.000000e-01 : f32
    %gt3A_150 = vector.broadcast %gt3A_149 : f32 to vector<512x1xf32>
    %gt3A_151 = arith.cmpf ogt, %slice3A_148, %gt3A_150 : vector<512x1xf32>
    %broadcast_in_dim3A_152 = vector.shape_cast %gt3A_151 : vector<512x1xi1> to vector<512x1xi1>
    %broadcast_in_dim3A_153 = vector.broadcast %broadcast_in_dim3A_152 : vector<512x1xi1> to vector<512x64xi1>
    %select_n3A_154 = arith.select %broadcast_in_dim3A_153, %slice3A_147, %slice3A_146 : vector<512x64xi1>, vector<512x64xi32>
    %shift_left3A_155 = arith.constant 16 : i32
    %shift_left3A_156 = vector.broadcast %shift_left3A_155 : i32 to vector<512x64xi32>
    %shift_left3A_157 = arith.shli %select_n3A_154, %shift_left3A_156 : vector<512x64xi32>
    %bitcast_convert_type3A_158 = tpu.bitcast %shift_left3A_157 : vector<512x64xi32> -> vector<512x64xf32>
    %and3A_159 = arith.constant -65536 : i32
    %and3A_160 = vector.broadcast %and3A_159 : i32 to vector<512x64xi32>
    %and3A_161 = arith.andi %select_n3A_154, %and3A_160 : vector<512x64xi32>
    %bitcast_convert_type3A_162 = tpu.bitcast %and3A_161 : vector<512x64xi32> -> vector<512x64xf32>
    %slice3A_163 = vector.extract_strided_slice %get3A_7 {offsets = [0, 6], sizes = [512, 1], strides = [1, 1]} : vector<512x26xf32> to vector<512x1xf32>
    %gt3A_164 = arith.constant 5.000000e-01 : f32
    %gt3A_165 = vector.broadcast %gt3A_164 : f32 to vector<512x1xf32>
    %gt3A_166 = arith.cmpf ogt, %slice3A_163, %gt3A_165 : vector<512x1xf32>
    %broadcast_in_dim3A_167 = vector.shape_cast %gt3A_166 : vector<512x1xi1> to vector<512x1xi1>
    %broadcast_in_dim3A_168 = vector.broadcast %broadcast_in_dim3A_167 : vector<512x1xi1> to vector<512x64xi1>
    %select_n3A_169 = arith.select %broadcast_in_dim3A_168, %bitcast_convert_type3A_162, %bitcast_convert_type3A_158 : vector<512x64xi1>, vector<512x64xf32>
    %slice3A_170 = vector.extract_strided_slice %bitcast_convert_type3A {offsets = [0, 896], sizes = [512, 64], strides = [1, 1]} : vector<512x3328xi32> to vector<512x64xi32>
    %slice3A_171 = vector.extract_strided_slice %bitcast_convert_type3A {offsets = [0, 960], sizes = [512, 64], strides = [1, 1]} : vector<512x3328xi32> to vector<512x64xi32>
    %slice3A_172 = vector.extract_strided_slice %get3A_4 {offsets = [0, 7], sizes = [512, 1], strides = [1, 1]} : vector<512x26xf32> to vector<512x1xf32>
    %gt3A_173 = arith.constant 5.000000e-01 : f32
    %gt3A_174 = vector.broadcast %gt3A_173 : f32 to vector<512x1xf32>
    %gt3A_175 = arith.cmpf ogt, %slice3A_172, %gt3A_174 : vector<512x1xf32>
    %broadcast_in_dim3A_176 = vector.shape_cast %gt3A_175 : vector<512x1xi1> to vector<512x1xi1>
    %broadcast_in_dim3A_177 = vector.broadcast %broadcast_in_dim3A_176 : vector<512x1xi1> to vector<512x64xi1>
    %select_n3A_178 = arith.select %broadcast_in_dim3A_177, %slice3A_171, %slice3A_170 : vector<512x64xi1>, vector<512x64xi32>
    %shift_left3A_179 = arith.constant 16 : i32
    %shift_left3A_180 = vector.broadcast %shift_left3A_179 : i32 to vector<512x64xi32>
    %shift_left3A_181 = arith.shli %select_n3A_178, %shift_left3A_180 : vector<512x64xi32>
    %bitcast_convert_type3A_182 = tpu.bitcast %shift_left3A_181 : vector<512x64xi32> -> vector<512x64xf32>
    %and3A_183 = arith.constant -65536 : i32
    %and3A_184 = vector.broadcast %and3A_183 : i32 to vector<512x64xi32>
    %and3A_185 = arith.andi %select_n3A_178, %and3A_184 : vector<512x64xi32>
    %bitcast_convert_type3A_186 = tpu.bitcast %and3A_185 : vector<512x64xi32> -> vector<512x64xf32>
    %slice3A_187 = vector.extract_strided_slice %get3A_7 {offsets = [0, 7], sizes = [512, 1], strides = [1, 1]} : vector<512x26xf32> to vector<512x1xf32>
    %gt3A_188 = arith.constant 5.000000e-01 : f32
    %gt3A_189 = vector.broadcast %gt3A_188 : f32 to vector<512x1xf32>
    %gt3A_190 = arith.cmpf ogt, %slice3A_187, %gt3A_189 : vector<512x1xf32>
    %broadcast_in_dim3A_191 = vector.shape_cast %gt3A_190 : vector<512x1xi1> to vector<512x1xi1>
    %broadcast_in_dim3A_192 = vector.broadcast %broadcast_in_dim3A_191 : vector<512x1xi1> to vector<512x64xi1>
    %select_n3A_193 = arith.select %broadcast_in_dim3A_192, %bitcast_convert_type3A_186, %bitcast_convert_type3A_182 : vector<512x64xi1>, vector<512x64xf32>
    %slice3A_194 = vector.extract_strided_slice %bitcast_convert_type3A {offsets = [0, 1024], sizes = [512, 64], strides = [1, 1]} : vector<512x3328xi32> to vector<512x64xi32>
    %slice3A_195 = vector.extract_strided_slice %bitcast_convert_type3A {offsets = [0, 1088], sizes = [512, 64], strides = [1, 1]} : vector<512x3328xi32> to vector<512x64xi32>
    %slice3A_196 = vector.extract_strided_slice %get3A_4 {offsets = [0, 8], sizes = [512, 1], strides = [1, 1]} : vector<512x26xf32> to vector<512x1xf32>
    %gt3A_197 = arith.constant 5.000000e-01 : f32
    %gt3A_198 = vector.broadcast %gt3A_197 : f32 to vector<512x1xf32>
    %gt3A_199 = arith.cmpf ogt, %slice3A_196, %gt3A_198 : vector<512x1xf32>
    %broadcast_in_dim3A_200 = vector.shape_cast %gt3A_199 : vector<512x1xi1> to vector<512x1xi1>
    %broadcast_in_dim3A_201 = vector.broadcast %broadcast_in_dim3A_200 : vector<512x1xi1> to vector<512x64xi1>
    %select_n3A_202 = arith.select %broadcast_in_dim3A_201, %slice3A_195, %slice3A_194 : vector<512x64xi1>, vector<512x64xi32>
    %shift_left3A_203 = arith.constant 16 : i32
    %shift_left3A_204 = vector.broadcast %shift_left3A_203 : i32 to vector<512x64xi32>
    %shift_left3A_205 = arith.shli %select_n3A_202, %shift_left3A_204 : vector<512x64xi32>
    %bitcast_convert_type3A_206 = tpu.bitcast %shift_left3A_205 : vector<512x64xi32> -> vector<512x64xf32>
    %and3A_207 = arith.constant -65536 : i32
    %and3A_208 = vector.broadcast %and3A_207 : i32 to vector<512x64xi32>
    %and3A_209 = arith.andi %select_n3A_202, %and3A_208 : vector<512x64xi32>
    %bitcast_convert_type3A_210 = tpu.bitcast %and3A_209 : vector<512x64xi32> -> vector<512x64xf32>
    %slice3A_211 = vector.extract_strided_slice %get3A_7 {offsets = [0, 8], sizes = [512, 1], strides = [1, 1]} : vector<512x26xf32> to vector<512x1xf32>
    %gt3A_212 = arith.constant 5.000000e-01 : f32
    %gt3A_213 = vector.broadcast %gt3A_212 : f32 to vector<512x1xf32>
    %gt3A_214 = arith.cmpf ogt, %slice3A_211, %gt3A_213 : vector<512x1xf32>
    %broadcast_in_dim3A_215 = vector.shape_cast %gt3A_214 : vector<512x1xi1> to vector<512x1xi1>
    %broadcast_in_dim3A_216 = vector.broadcast %broadcast_in_dim3A_215 : vector<512x1xi1> to vector<512x64xi1>
    %select_n3A_217 = arith.select %broadcast_in_dim3A_216, %bitcast_convert_type3A_210, %bitcast_convert_type3A_206 : vector<512x64xi1>, vector<512x64xf32>
    %slice3A_218 = vector.extract_strided_slice %bitcast_convert_type3A {offsets = [0, 1152], sizes = [512, 64], strides = [1, 1]} : vector<512x3328xi32> to vector<512x64xi32>
    %slice3A_219 = vector.extract_strided_slice %bitcast_convert_type3A {offsets = [0, 1216], sizes = [512, 64], strides = [1, 1]} : vector<512x3328xi32> to vector<512x64xi32>
    %slice3A_220 = vector.extract_strided_slice %get3A_4 {offsets = [0, 9], sizes = [512, 1], strides = [1, 1]} : vector<512x26xf32> to vector<512x1xf32>
    %gt3A_221 = arith.constant 5.000000e-01 : f32
    %gt3A_222 = vector.broadcast %gt3A_221 : f32 to vector<512x1xf32>
    %gt3A_223 = arith.cmpf ogt, %slice3A_220, %gt3A_222 : vector<512x1xf32>
    %broadcast_in_dim3A_224 = vector.shape_cast %gt3A_223 : vector<512x1xi1> to vector<512x1xi1>
    %broadcast_in_dim3A_225 = vector.broadcast %broadcast_in_dim3A_224 : vector<512x1xi1> to vector<512x64xi1>
    %select_n3A_226 = arith.select %broadcast_in_dim3A_225, %slice3A_219, %slice3A_218 : vector<512x64xi1>, vector<512x64xi32>
    %shift_left3A_227 = arith.constant 16 : i32
    %shift_left3A_228 = vector.broadcast %shift_left3A_227 : i32 to vector<512x64xi32>
    %shift_left3A_229 = arith.shli %select_n3A_226, %shift_left3A_228 : vector<512x64xi32>
    %bitcast_convert_type3A_230 = tpu.bitcast %shift_left3A_229 : vector<512x64xi32> -> vector<512x64xf32>
    %and3A_231 = arith.constant -65536 : i32
    %and3A_232 = vector.broadcast %and3A_231 : i32 to vector<512x64xi32>
    %and3A_233 = arith.andi %select_n3A_226, %and3A_232 : vector<512x64xi32>
    %bitcast_convert_type3A_234 = tpu.bitcast %and3A_233 : vector<512x64xi32> -> vector<512x64xf32>
    %slice3A_235 = vector.extract_strided_slice %get3A_7 {offsets = [0, 9], sizes = [512, 1], strides = [1, 1]} : vector<512x26xf32> to vector<512x1xf32>
    %gt3A_236 = arith.constant 5.000000e-01 : f32
    %gt3A_237 = vector.broadcast %gt3A_236 : f32 to vector<512x1xf32>
    %gt3A_238 = arith.cmpf ogt, %slice3A_235, %gt3A_237 : vector<512x1xf32>
    %broadcast_in_dim3A_239 = vector.shape_cast %gt3A_238 : vector<512x1xi1> to vector<512x1xi1>
    %broadcast_in_dim3A_240 = vector.broadcast %broadcast_in_dim3A_239 : vector<512x1xi1> to vector<512x64xi1>
    %select_n3A_241 = arith.select %broadcast_in_dim3A_240, %bitcast_convert_type3A_234, %bitcast_convert_type3A_230 : vector<512x64xi1>, vector<512x64xf32>
    %slice3A_242 = vector.extract_strided_slice %bitcast_convert_type3A {offsets = [0, 1280], sizes = [512, 64], strides = [1, 1]} : vector<512x3328xi32> to vector<512x64xi32>
    %slice3A_243 = vector.extract_strided_slice %bitcast_convert_type3A {offsets = [0, 1344], sizes = [512, 64], strides = [1, 1]} : vector<512x3328xi32> to vector<512x64xi32>
    %slice3A_244 = vector.extract_strided_slice %get3A_4 {offsets = [0, 10], sizes = [512, 1], strides = [1, 1]} : vector<512x26xf32> to vector<512x1xf32>
    %gt3A_245 = arith.constant 5.000000e-01 : f32
    %gt3A_246 = vector.broadcast %gt3A_245 : f32 to vector<512x1xf32>
    %gt3A_247 = arith.cmpf ogt, %slice3A_244, %gt3A_246 : vector<512x1xf32>
    %broadcast_in_dim3A_248 = vector.shape_cast %gt3A_247 : vector<512x1xi1> to vector<512x1xi1>
    %broadcast_in_dim3A_249 = vector.broadcast %broadcast_in_dim3A_248 : vector<512x1xi1> to vector<512x64xi1>
    %select_n3A_250 = arith.select %broadcast_in_dim3A_249, %slice3A_243, %slice3A_242 : vector<512x64xi1>, vector<512x64xi32>
    %shift_left3A_251 = arith.constant 16 : i32
    %shift_left3A_252 = vector.broadcast %shift_left3A_251 : i32 to vector<512x64xi32>
    %shift_left3A_253 = arith.shli %select_n3A_250, %shift_left3A_252 : vector<512x64xi32>
    %bitcast_convert_type3A_254 = tpu.bitcast %shift_left3A_253 : vector<512x64xi32> -> vector<512x64xf32>
    %and3A_255 = arith.constant -65536 : i32
    %and3A_256 = vector.broadcast %and3A_255 : i32 to vector<512x64xi32>
    %and3A_257 = arith.andi %select_n3A_250, %and3A_256 : vector<512x64xi32>
    %bitcast_convert_type3A_258 = tpu.bitcast %and3A_257 : vector<512x64xi32> -> vector<512x64xf32>
    %slice3A_259 = vector.extract_strided_slice %get3A_7 {offsets = [0, 10], sizes = [512, 1], strides = [1, 1]} : vector<512x26xf32> to vector<512x1xf32>
    %gt3A_260 = arith.constant 5.000000e-01 : f32
    %gt3A_261 = vector.broadcast %gt3A_260 : f32 to vector<512x1xf32>
    %gt3A_262 = arith.cmpf ogt, %slice3A_259, %gt3A_261 : vector<512x1xf32>
    %broadcast_in_dim3A_263 = vector.shape_cast %gt3A_262 : vector<512x1xi1> to vector<512x1xi1>
    %broadcast_in_dim3A_264 = vector.broadcast %broadcast_in_dim3A_263 : vector<512x1xi1> to vector<512x64xi1>
    %select_n3A_265 = arith.select %broadcast_in_dim3A_264, %bitcast_convert_type3A_258, %bitcast_convert_type3A_254 : vector<512x64xi1>, vector<512x64xf32>
    %slice3A_266 = vector.extract_strided_slice %bitcast_convert_type3A {offsets = [0, 1408], sizes = [512, 64], strides = [1, 1]} : vector<512x3328xi32> to vector<512x64xi32>
    %slice3A_267 = vector.extract_strided_slice %bitcast_convert_type3A {offsets = [0, 1472], sizes = [512, 64], strides = [1, 1]} : vector<512x3328xi32> to vector<512x64xi32>
    %slice3A_268 = vector.extract_strided_slice %get3A_4 {offsets = [0, 11], sizes = [512, 1], strides = [1, 1]} : vector<512x26xf32> to vector<512x1xf32>
    %gt3A_269 = arith.constant 5.000000e-01 : f32
    %gt3A_270 = vector.broadcast %gt3A_269 : f32 to vector<512x1xf32>
    %gt3A_271 = arith.cmpf ogt, %slice3A_268, %gt3A_270 : vector<512x1xf32>
    %broadcast_in_dim3A_272 = vector.shape_cast %gt3A_271 : vector<512x1xi1> to vector<512x1xi1>
    %broadcast_in_dim3A_273 = vector.broadcast %broadcast_in_dim3A_272 : vector<512x1xi1> to vector<512x64xi1>
    %select_n3A_274 = arith.select %broadcast_in_dim3A_273, %slice3A_267, %slice3A_266 : vector<512x64xi1>, vector<512x64xi32>
    %shift_left3A_275 = arith.constant 16 : i32
    %shift_left3A_276 = vector.broadcast %shift_left3A_275 : i32 to vector<512x64xi32>
    %shift_left3A_277 = arith.shli %select_n3A_274, %shift_left3A_276 : vector<512x64xi32>
    %bitcast_convert_type3A_278 = tpu.bitcast %shift_left3A_277 : vector<512x64xi32> -> vector<512x64xf32>
    %and3A_279 = arith.constant -65536 : i32
    %and3A_280 = vector.broadcast %and3A_279 : i32 to vector<512x64xi32>
    %and3A_281 = arith.andi %select_n3A_274, %and3A_280 : vector<512x64xi32>
    %bitcast_convert_type3A_282 = tpu.bitcast %and3A_281 : vector<512x64xi32> -> vector<512x64xf32>
    %slice3A_283 = vector.extract_strided_slice %get3A_7 {offsets = [0, 11], sizes = [512, 1], strides = [1, 1]} : vector<512x26xf32> to vector<512x1xf32>
    %gt3A_284 = arith.constant 5.000000e-01 : f32
    %gt3A_285 = vector.broadcast %gt3A_284 : f32 to vector<512x1xf32>
    %gt3A_286 = arith.cmpf ogt, %slice3A_283, %gt3A_285 : vector<512x1xf32>
    %broadcast_in_dim3A_287 = vector.shape_cast %gt3A_286 : vector<512x1xi1> to vector<512x1xi1>
    %broadcast_in_dim3A_288 = vector.broadcast %broadcast_in_dim3A_287 : vector<512x1xi1> to vector<512x64xi1>
    %select_n3A_289 = arith.select %broadcast_in_dim3A_288, %bitcast_convert_type3A_282, %bitcast_convert_type3A_278 : vector<512x64xi1>, vector<512x64xf32>
    %slice3A_290 = vector.extract_strided_slice %bitcast_convert_type3A {offsets = [0, 1536], sizes = [512, 64], strides = [1, 1]} : vector<512x3328xi32> to vector<512x64xi32>
    %slice3A_291 = vector.extract_strided_slice %bitcast_convert_type3A {offsets = [0, 1600], sizes = [512, 64], strides = [1, 1]} : vector<512x3328xi32> to vector<512x64xi32>
    %slice3A_292 = vector.extract_strided_slice %get3A_4 {offsets = [0, 12], sizes = [512, 1], strides = [1, 1]} : vector<512x26xf32> to vector<512x1xf32>
    %gt3A_293 = arith.constant 5.000000e-01 : f32
    %gt3A_294 = vector.broadcast %gt3A_293 : f32 to vector<512x1xf32>
    %gt3A_295 = arith.cmpf ogt, %slice3A_292, %gt3A_294 : vector<512x1xf32>
    %broadcast_in_dim3A_296 = vector.shape_cast %gt3A_295 : vector<512x1xi1> to vector<512x1xi1>
    %broadcast_in_dim3A_297 = vector.broadcast %broadcast_in_dim3A_296 : vector<512x1xi1> to vector<512x64xi1>
    %select_n3A_298 = arith.select %broadcast_in_dim3A_297, %slice3A_291, %slice3A_290 : vector<512x64xi1>, vector<512x64xi32>
    %shift_left3A_299 = arith.constant 16 : i32
    %shift_left3A_300 = vector.broadcast %shift_left3A_299 : i32 to vector<512x64xi32>
    %shift_left3A_301 = arith.shli %select_n3A_298, %shift_left3A_300 : vector<512x64xi32>
    %bitcast_convert_type3A_302 = tpu.bitcast %shift_left3A_301 : vector<512x64xi32> -> vector<512x64xf32>
    %and3A_303 = arith.constant -65536 : i32
    %and3A_304 = vector.broadcast %and3A_303 : i32 to vector<512x64xi32>
    %and3A_305 = arith.andi %select_n3A_298, %and3A_304 : vector<512x64xi32>
    %bitcast_convert_type3A_306 = tpu.bitcast %and3A_305 : vector<512x64xi32> -> vector<512x64xf32>
    %slice3A_307 = vector.extract_strided_slice %get3A_7 {offsets = [0, 12], sizes = [512, 1], strides = [1, 1]} : vector<512x26xf32> to vector<512x1xf32>
    %gt3A_308 = arith.constant 5.000000e-01 : f32
    %gt3A_309 = vector.broadcast %gt3A_308 : f32 to vector<512x1xf32>
    %gt3A_310 = arith.cmpf ogt, %slice3A_307, %gt3A_309 : vector<512x1xf32>
    %broadcast_in_dim3A_311 = vector.shape_cast %gt3A_310 : vector<512x1xi1> to vector<512x1xi1>
    %broadcast_in_dim3A_312 = vector.broadcast %broadcast_in_dim3A_311 : vector<512x1xi1> to vector<512x64xi1>
    %select_n3A_313 = arith.select %broadcast_in_dim3A_312, %bitcast_convert_type3A_306, %bitcast_convert_type3A_302 : vector<512x64xi1>, vector<512x64xf32>
    %slice3A_314 = vector.extract_strided_slice %bitcast_convert_type3A {offsets = [0, 1664], sizes = [512, 64], strides = [1, 1]} : vector<512x3328xi32> to vector<512x64xi32>
    %slice3A_315 = vector.extract_strided_slice %bitcast_convert_type3A {offsets = [0, 1728], sizes = [512, 64], strides = [1, 1]} : vector<512x3328xi32> to vector<512x64xi32>
    %slice3A_316 = vector.extract_strided_slice %get3A_4 {offsets = [0, 13], sizes = [512, 1], strides = [1, 1]} : vector<512x26xf32> to vector<512x1xf32>
    %gt3A_317 = arith.constant 5.000000e-01 : f32
    %gt3A_318 = vector.broadcast %gt3A_317 : f32 to vector<512x1xf32>
    %gt3A_319 = arith.cmpf ogt, %slice3A_316, %gt3A_318 : vector<512x1xf32>
    %broadcast_in_dim3A_320 = vector.shape_cast %gt3A_319 : vector<512x1xi1> to vector<512x1xi1>
    %broadcast_in_dim3A_321 = vector.broadcast %broadcast_in_dim3A_320 : vector<512x1xi1> to vector<512x64xi1>
    %select_n3A_322 = arith.select %broadcast_in_dim3A_321, %slice3A_315, %slice3A_314 : vector<512x64xi1>, vector<512x64xi32>
    %shift_left3A_323 = arith.constant 16 : i32
    %shift_left3A_324 = vector.broadcast %shift_left3A_323 : i32 to vector<512x64xi32>
    %shift_left3A_325 = arith.shli %select_n3A_322, %shift_left3A_324 : vector<512x64xi32>
    %bitcast_convert_type3A_326 = tpu.bitcast %shift_left3A_325 : vector<512x64xi32> -> vector<512x64xf32>
    %and3A_327 = arith.constant -65536 : i32
    %and3A_328 = vector.broadcast %and3A_327 : i32 to vector<512x64xi32>
    %and3A_329 = arith.andi %select_n3A_322, %and3A_328 : vector<512x64xi32>
    %bitcast_convert_type3A_330 = tpu.bitcast %and3A_329 : vector<512x64xi32> -> vector<512x64xf32>
    %slice3A_331 = vector.extract_strided_slice %get3A_7 {offsets = [0, 13], sizes = [512, 1], strides = [1, 1]} : vector<512x26xf32> to vector<512x1xf32>
    %gt3A_332 = arith.constant 5.000000e-01 : f32
    %gt3A_333 = vector.broadcast %gt3A_332 : f32 to vector<512x1xf32>
    %gt3A_334 = arith.cmpf ogt, %slice3A_331, %gt3A_333 : vector<512x1xf32>
    %broadcast_in_dim3A_335 = vector.shape_cast %gt3A_334 : vector<512x1xi1> to vector<512x1xi1>
    %broadcast_in_dim3A_336 = vector.broadcast %broadcast_in_dim3A_335 : vector<512x1xi1> to vector<512x64xi1>
    %select_n3A_337 = arith.select %broadcast_in_dim3A_336, %bitcast_convert_type3A_330, %bitcast_convert_type3A_326 : vector<512x64xi1>, vector<512x64xf32>
    %slice3A_338 = vector.extract_strided_slice %bitcast_convert_type3A {offsets = [0, 1792], sizes = [512, 64], strides = [1, 1]} : vector<512x3328xi32> to vector<512x64xi32>
    %slice3A_339 = vector.extract_strided_slice %bitcast_convert_type3A {offsets = [0, 1856], sizes = [512, 64], strides = [1, 1]} : vector<512x3328xi32> to vector<512x64xi32>
    %slice3A_340 = vector.extract_strided_slice %get3A_4 {offsets = [0, 14], sizes = [512, 1], strides = [1, 1]} : vector<512x26xf32> to vector<512x1xf32>
    %gt3A_341 = arith.constant 5.000000e-01 : f32
    %gt3A_342 = vector.broadcast %gt3A_341 : f32 to vector<512x1xf32>
    %gt3A_343 = arith.cmpf ogt, %slice3A_340, %gt3A_342 : vector<512x1xf32>
    %broadcast_in_dim3A_344 = vector.shape_cast %gt3A_343 : vector<512x1xi1> to vector<512x1xi1>
    %broadcast_in_dim3A_345 = vector.broadcast %broadcast_in_dim3A_344 : vector<512x1xi1> to vector<512x64xi1>
    %select_n3A_346 = arith.select %broadcast_in_dim3A_345, %slice3A_339, %slice3A_338 : vector<512x64xi1>, vector<512x64xi32>
    %shift_left3A_347 = arith.constant 16 : i32
    %shift_left3A_348 = vector.broadcast %shift_left3A_347 : i32 to vector<512x64xi32>
    %shift_left3A_349 = arith.shli %select_n3A_346, %shift_left3A_348 : vector<512x64xi32>
    %bitcast_convert_type3A_350 = tpu.bitcast %shift_left3A_349 : vector<512x64xi32> -> vector<512x64xf32>
    %and3A_351 = arith.constant -65536 : i32
    %and3A_352 = vector.broadcast %and3A_351 : i32 to vector<512x64xi32>
    %and3A_353 = arith.andi %select_n3A_346, %and3A_352 : vector<512x64xi32>
    %bitcast_convert_type3A_354 = tpu.bitcast %and3A_353 : vector<512x64xi32> -> vector<512x64xf32>
    %slice3A_355 = vector.extract_strided_slice %get3A_7 {offsets = [0, 14], sizes = [512, 1], strides = [1, 1]} : vector<512x26xf32> to vector<512x1xf32>
    %gt3A_356 = arith.constant 5.000000e-01 : f32
    %gt3A_357 = vector.broadcast %gt3A_356 : f32 to vector<512x1xf32>
    %gt3A_358 = arith.cmpf ogt, %slice3A_355, %gt3A_357 : vector<512x1xf32>
    %broadcast_in_dim3A_359 = vector.shape_cast %gt3A_358 : vector<512x1xi1> to vector<512x1xi1>
    %broadcast_in_dim3A_360 = vector.broadcast %broadcast_in_dim3A_359 : vector<512x1xi1> to vector<512x64xi1>
    %select_n3A_361 = arith.select %broadcast_in_dim3A_360, %bitcast_convert_type3A_354, %bitcast_convert_type3A_350 : vector<512x64xi1>, vector<512x64xf32>
    %slice3A_362 = vector.extract_strided_slice %bitcast_convert_type3A {offsets = [0, 1920], sizes = [512, 64], strides = [1, 1]} : vector<512x3328xi32> to vector<512x64xi32>
    %slice3A_363 = vector.extract_strided_slice %bitcast_convert_type3A {offsets = [0, 1984], sizes = [512, 64], strides = [1, 1]} : vector<512x3328xi32> to vector<512x64xi32>
    %slice3A_364 = vector.extract_strided_slice %get3A_4 {offsets = [0, 15], sizes = [512, 1], strides = [1, 1]} : vector<512x26xf32> to vector<512x1xf32>
    %gt3A_365 = arith.constant 5.000000e-01 : f32
    %gt3A_366 = vector.broadcast %gt3A_365 : f32 to vector<512x1xf32>
    %gt3A_367 = arith.cmpf ogt, %slice3A_364, %gt3A_366 : vector<512x1xf32>
    %broadcast_in_dim3A_368 = vector.shape_cast %gt3A_367 : vector<512x1xi1> to vector<512x1xi1>
    %broadcast_in_dim3A_369 = vector.broadcast %broadcast_in_dim3A_368 : vector<512x1xi1> to vector<512x64xi1>
    %select_n3A_370 = arith.select %broadcast_in_dim3A_369, %slice3A_363, %slice3A_362 : vector<512x64xi1>, vector<512x64xi32>
    %shift_left3A_371 = arith.constant 16 : i32
    %shift_left3A_372 = vector.broadcast %shift_left3A_371 : i32 to vector<512x64xi32>
    %shift_left3A_373 = arith.shli %select_n3A_370, %shift_left3A_372 : vector<512x64xi32>
    %bitcast_convert_type3A_374 = tpu.bitcast %shift_left3A_373 : vector<512x64xi32> -> vector<512x64xf32>
    %and3A_375 = arith.constant -65536 : i32
    %and3A_376 = vector.broadcast %and3A_375 : i32 to vector<512x64xi32>
    %and3A_377 = arith.andi %select_n3A_370, %and3A_376 : vector<512x64xi32>
    %bitcast_convert_type3A_378 = tpu.bitcast %and3A_377 : vector<512x64xi32> -> vector<512x64xf32>
    %slice3A_379 = vector.extract_strided_slice %get3A_7 {offsets = [0, 15], sizes = [512, 1], strides = [1, 1]} : vector<512x26xf32> to vector<512x1xf32>
    %gt3A_380 = arith.constant 5.000000e-01 : f32
    %gt3A_381 = vector.broadcast %gt3A_380 : f32 to vector<512x1xf32>
    %gt3A_382 = arith.cmpf ogt, %slice3A_379, %gt3A_381 : vector<512x1xf32>
    %broadcast_in_dim3A_383 = vector.shape_cast %gt3A_382 : vector<512x1xi1> to vector<512x1xi1>
    %broadcast_in_dim3A_384 = vector.broadcast %broadcast_in_dim3A_383 : vector<512x1xi1> to vector<512x64xi1>
    %select_n3A_385 = arith.select %broadcast_in_dim3A_384, %bitcast_convert_type3A_378, %bitcast_convert_type3A_374 : vector<512x64xi1>, vector<512x64xf32>
    %slice3A_386 = vector.extract_strided_slice %bitcast_convert_type3A {offsets = [0, 2048], sizes = [512, 64], strides = [1, 1]} : vector<512x3328xi32> to vector<512x64xi32>
    %slice3A_387 = vector.extract_strided_slice %bitcast_convert_type3A {offsets = [0, 2112], sizes = [512, 64], strides = [1, 1]} : vector<512x3328xi32> to vector<512x64xi32>
    %slice3A_388 = vector.extract_strided_slice %get3A_4 {offsets = [0, 16], sizes = [512, 1], strides = [1, 1]} : vector<512x26xf32> to vector<512x1xf32>
    %gt3A_389 = arith.constant 5.000000e-01 : f32
    %gt3A_390 = vector.broadcast %gt3A_389 : f32 to vector<512x1xf32>
    %gt3A_391 = arith.cmpf ogt, %slice3A_388, %gt3A_390 : vector<512x1xf32>
    %broadcast_in_dim3A_392 = vector.shape_cast %gt3A_391 : vector<512x1xi1> to vector<512x1xi1>
    %broadcast_in_dim3A_393 = vector.broadcast %broadcast_in_dim3A_392 : vector<512x1xi1> to vector<512x64xi1>
    %select_n3A_394 = arith.select %broadcast_in_dim3A_393, %slice3A_387, %slice3A_386 : vector<512x64xi1>, vector<512x64xi32>
    %shift_left3A_395 = arith.constant 16 : i32
    %shift_left3A_396 = vector.broadcast %shift_left3A_395 : i32 to vector<512x64xi32>
    %shift_left3A_397 = arith.shli %select_n3A_394, %shift_left3A_396 : vector<512x64xi32>
    %bitcast_convert_type3A_398 = tpu.bitcast %shift_left3A_397 : vector<512x64xi32> -> vector<512x64xf32>
    %and3A_399 = arith.constant -65536 : i32
    %and3A_400 = vector.broadcast %and3A_399 : i32 to vector<512x64xi32>
    %and3A_401 = arith.andi %select_n3A_394, %and3A_400 : vector<512x64xi32>
    %bitcast_convert_type3A_402 = tpu.bitcast %and3A_401 : vector<512x64xi32> -> vector<512x64xf32>
    %slice3A_403 = vector.extract_strided_slice %get3A_7 {offsets = [0, 16], sizes = [512, 1], strides = [1, 1]} : vector<512x26xf32> to vector<512x1xf32>
    %gt3A_404 = arith.constant 5.000000e-01 : f32
    %gt3A_405 = vector.broadcast %gt3A_404 : f32 to vector<512x1xf32>
    %gt3A_406 = arith.cmpf ogt, %slice3A_403, %gt3A_405 : vector<512x1xf32>
    %broadcast_in_dim3A_407 = vector.shape_cast %gt3A_406 : vector<512x1xi1> to vector<512x1xi1>
    %broadcast_in_dim3A_408 = vector.broadcast %broadcast_in_dim3A_407 : vector<512x1xi1> to vector<512x64xi1>
    %select_n3A_409 = arith.select %broadcast_in_dim3A_408, %bitcast_convert_type3A_402, %bitcast_convert_type3A_398 : vector<512x64xi1>, vector<512x64xf32>
    %slice3A_410 = vector.extract_strided_slice %bitcast_convert_type3A {offsets = [0, 2176], sizes = [512, 64], strides = [1, 1]} : vector<512x3328xi32> to vector<512x64xi32>
    %slice3A_411 = vector.extract_strided_slice %bitcast_convert_type3A {offsets = [0, 2240], sizes = [512, 64], strides = [1, 1]} : vector<512x3328xi32> to vector<512x64xi32>
    %slice3A_412 = vector.extract_strided_slice %get3A_4 {offsets = [0, 17], sizes = [512, 1], strides = [1, 1]} : vector<512x26xf32> to vector<512x1xf32>
    %gt3A_413 = arith.constant 5.000000e-01 : f32
    %gt3A_414 = vector.broadcast %gt3A_413 : f32 to vector<512x1xf32>
    %gt3A_415 = arith.cmpf ogt, %slice3A_412, %gt3A_414 : vector<512x1xf32>
    %broadcast_in_dim3A_416 = vector.shape_cast %gt3A_415 : vector<512x1xi1> to vector<512x1xi1>
    %broadcast_in_dim3A_417 = vector.broadcast %broadcast_in_dim3A_416 : vector<512x1xi1> to vector<512x64xi1>
    %select_n3A_418 = arith.select %broadcast_in_dim3A_417, %slice3A_411, %slice3A_410 : vector<512x64xi1>, vector<512x64xi32>
    %shift_left3A_419 = arith.constant 16 : i32
    %shift_left3A_420 = vector.broadcast %shift_left3A_419 : i32 to vector<512x64xi32>
    %shift_left3A_421 = arith.shli %select_n3A_418, %shift_left3A_420 : vector<512x64xi32>
    %bitcast_convert_type3A_422 = tpu.bitcast %shift_left3A_421 : vector<512x64xi32> -> vector<512x64xf32>
    %and3A_423 = arith.constant -65536 : i32
    %and3A_424 = vector.broadcast %and3A_423 : i32 to vector<512x64xi32>
    %and3A_425 = arith.andi %select_n3A_418, %and3A_424 : vector<512x64xi32>
    %bitcast_convert_type3A_426 = tpu.bitcast %and3A_425 : vector<512x64xi32> -> vector<512x64xf32>
    %slice3A_427 = vector.extract_strided_slice %get3A_7 {offsets = [0, 17], sizes = [512, 1], strides = [1, 1]} : vector<512x26xf32> to vector<512x1xf32>
    %gt3A_428 = arith.constant 5.000000e-01 : f32
    %gt3A_429 = vector.broadcast %gt3A_428 : f32 to vector<512x1xf32>
    %gt3A_430 = arith.cmpf ogt, %slice3A_427, %gt3A_429 : vector<512x1xf32>
    %broadcast_in_dim3A_431 = vector.shape_cast %gt3A_430 : vector<512x1xi1> to vector<512x1xi1>
    %broadcast_in_dim3A_432 = vector.broadcast %broadcast_in_dim3A_431 : vector<512x1xi1> to vector<512x64xi1>
    %select_n3A_433 = arith.select %broadcast_in_dim3A_432, %bitcast_convert_type3A_426, %bitcast_convert_type3A_422 : vector<512x64xi1>, vector<512x64xf32>
    %slice3A_434 = vector.extract_strided_slice %bitcast_convert_type3A {offsets = [0, 2304], sizes = [512, 64], strides = [1, 1]} : vector<512x3328xi32> to vector<512x64xi32>
    %slice3A_435 = vector.extract_strided_slice %bitcast_convert_type3A {offsets = [0, 2368], sizes = [512, 64], strides = [1, 1]} : vector<512x3328xi32> to vector<512x64xi32>
    %slice3A_436 = vector.extract_strided_slice %get3A_4 {offsets = [0, 18], sizes = [512, 1], strides = [1, 1]} : vector<512x26xf32> to vector<512x1xf32>
    %gt3A_437 = arith.constant 5.000000e-01 : f32
    %gt3A_438 = vector.broadcast %gt3A_437 : f32 to vector<512x1xf32>
    %gt3A_439 = arith.cmpf ogt, %slice3A_436, %gt3A_438 : vector<512x1xf32>
    %broadcast_in_dim3A_440 = vector.shape_cast %gt3A_439 : vector<512x1xi1> to vector<512x1xi1>
    %broadcast_in_dim3A_441 = vector.broadcast %broadcast_in_dim3A_440 : vector<512x1xi1> to vector<512x64xi1>
    %select_n3A_442 = arith.select %broadcast_in_dim3A_441, %slice3A_435, %slice3A_434 : vector<512x64xi1>, vector<512x64xi32>
    %shift_left3A_443 = arith.constant 16 : i32
    %shift_left3A_444 = vector.broadcast %shift_left3A_443 : i32 to vector<512x64xi32>
    %shift_left3A_445 = arith.shli %select_n3A_442, %shift_left3A_444 : vector<512x64xi32>
    %bitcast_convert_type3A_446 = tpu.bitcast %shift_left3A_445 : vector<512x64xi32> -> vector<512x64xf32>
    %and3A_447 = arith.constant -65536 : i32
    %and3A_448 = vector.broadcast %and3A_447 : i32 to vector<512x64xi32>
    %and3A_449 = arith.andi %select_n3A_442, %and3A_448 : vector<512x64xi32>
    %bitcast_convert_type3A_450 = tpu.bitcast %and3A_449 : vector<512x64xi32> -> vector<512x64xf32>
    %slice3A_451 = vector.extract_strided_slice %get3A_7 {offsets = [0, 18], sizes = [512, 1], strides = [1, 1]} : vector<512x26xf32> to vector<512x1xf32>
    %gt3A_452 = arith.constant 5.000000e-01 : f32
    %gt3A_453 = vector.broadcast %gt3A_452 : f32 to vector<512x1xf32>
    %gt3A_454 = arith.cmpf ogt, %slice3A_451, %gt3A_453 : vector<512x1xf32>
    %broadcast_in_dim3A_455 = vector.shape_cast %gt3A_454 : vector<512x1xi1> to vector<512x1xi1>
    %broadcast_in_dim3A_456 = vector.broadcast %broadcast_in_dim3A_455 : vector<512x1xi1> to vector<512x64xi1>
    %select_n3A_457 = arith.select %broadcast_in_dim3A_456, %bitcast_convert_type3A_450, %bitcast_convert_type3A_446 : vector<512x64xi1>, vector<512x64xf32>
    %slice3A_458 = vector.extract_strided_slice %bitcast_convert_type3A {offsets = [0, 2432], sizes = [512, 64], strides = [1, 1]} : vector<512x3328xi32> to vector<512x64xi32>
    %slice3A_459 = vector.extract_strided_slice %bitcast_convert_type3A {offsets = [0, 2496], sizes = [512, 64], strides = [1, 1]} : vector<512x3328xi32> to vector<512x64xi32>
    %slice3A_460 = vector.extract_strided_slice %get3A_4 {offsets = [0, 19], sizes = [512, 1], strides = [1, 1]} : vector<512x26xf32> to vector<512x1xf32>
    %gt3A_461 = arith.constant 5.000000e-01 : f32
    %gt3A_462 = vector.broadcast %gt3A_461 : f32 to vector<512x1xf32>
    %gt3A_463 = arith.cmpf ogt, %slice3A_460, %gt3A_462 : vector<512x1xf32>
    %broadcast_in_dim3A_464 = vector.shape_cast %gt3A_463 : vector<512x1xi1> to vector<512x1xi1>
    %broadcast_in_dim3A_465 = vector.broadcast %broadcast_in_dim3A_464 : vector<512x1xi1> to vector<512x64xi1>
    %select_n3A_466 = arith.select %broadcast_in_dim3A_465, %slice3A_459, %slice3A_458 : vector<512x64xi1>, vector<512x64xi32>
    %shift_left3A_467 = arith.constant 16 : i32
    %shift_left3A_468 = vector.broadcast %shift_left3A_467 : i32 to vector<512x64xi32>
    %shift_left3A_469 = arith.shli %select_n3A_466, %shift_left3A_468 : vector<512x64xi32>
    %bitcast_convert_type3A_470 = tpu.bitcast %shift_left3A_469 : vector<512x64xi32> -> vector<512x64xf32>
    %and3A_471 = arith.constant -65536 : i32
    %and3A_472 = vector.broadcast %and3A_471 : i32 to vector<512x64xi32>
    %and3A_473 = arith.andi %select_n3A_466, %and3A_472 : vector<512x64xi32>
    %bitcast_convert_type3A_474 = tpu.bitcast %and3A_473 : vector<512x64xi32> -> vector<512x64xf32>
    %slice3A_475 = vector.extract_strided_slice %get3A_7 {offsets = [0, 19], sizes = [512, 1], strides = [1, 1]} : vector<512x26xf32> to vector<512x1xf32>
    %gt3A_476 = arith.constant 5.000000e-01 : f32
    %gt3A_477 = vector.broadcast %gt3A_476 : f32 to vector<512x1xf32>
    %gt3A_478 = arith.cmpf ogt, %slice3A_475, %gt3A_477 : vector<512x1xf32>
    %broadcast_in_dim3A_479 = vector.shape_cast %gt3A_478 : vector<512x1xi1> to vector<512x1xi1>
    %broadcast_in_dim3A_480 = vector.broadcast %broadcast_in_dim3A_479 : vector<512x1xi1> to vector<512x64xi1>
    %select_n3A_481 = arith.select %broadcast_in_dim3A_480, %bitcast_convert_type3A_474, %bitcast_convert_type3A_470 : vector<512x64xi1>, vector<512x64xf32>
    %slice3A_482 = vector.extract_strided_slice %bitcast_convert_type3A {offsets = [0, 2560], sizes = [512, 64], strides = [1, 1]} : vector<512x3328xi32> to vector<512x64xi32>
    %slice3A_483 = vector.extract_strided_slice %bitcast_convert_type3A {offsets = [0, 2624], sizes = [512, 64], strides = [1, 1]} : vector<512x3328xi32> to vector<512x64xi32>
    %slice3A_484 = vector.extract_strided_slice %get3A_4 {offsets = [0, 20], sizes = [512, 1], strides = [1, 1]} : vector<512x26xf32> to vector<512x1xf32>
    %gt3A_485 = arith.constant 5.000000e-01 : f32
    %gt3A_486 = vector.broadcast %gt3A_485 : f32 to vector<512x1xf32>
    %gt3A_487 = arith.cmpf ogt, %slice3A_484, %gt3A_486 : vector<512x1xf32>
    %broadcast_in_dim3A_488 = vector.shape_cast %gt3A_487 : vector<512x1xi1> to vector<512x1xi1>
    %broadcast_in_dim3A_489 = vector.broadcast %broadcast_in_dim3A_488 : vector<512x1xi1> to vector<512x64xi1>
    %select_n3A_490 = arith.select %broadcast_in_dim3A_489, %slice3A_483, %slice3A_482 : vector<512x64xi1>, vector<512x64xi32>
    %shift_left3A_491 = arith.constant 16 : i32
    %shift_left3A_492 = vector.broadcast %shift_left3A_491 : i32 to vector<512x64xi32>
    %shift_left3A_493 = arith.shli %select_n3A_490, %shift_left3A_492 : vector<512x64xi32>
    %bitcast_convert_type3A_494 = tpu.bitcast %shift_left3A_493 : vector<512x64xi32> -> vector<512x64xf32>
    %and3A_495 = arith.constant -65536 : i32
    %and3A_496 = vector.broadcast %and3A_495 : i32 to vector<512x64xi32>
    %and3A_497 = arith.andi %select_n3A_490, %and3A_496 : vector<512x64xi32>
    %bitcast_convert_type3A_498 = tpu.bitcast %and3A_497 : vector<512x64xi32> -> vector<512x64xf32>
    %slice3A_499 = vector.extract_strided_slice %get3A_7 {offsets = [0, 20], sizes = [512, 1], strides = [1, 1]} : vector<512x26xf32> to vector<512x1xf32>
    %gt3A_500 = arith.constant 5.000000e-01 : f32
    %gt3A_501 = vector.broadcast %gt3A_500 : f32 to vector<512x1xf32>
    %gt3A_502 = arith.cmpf ogt, %slice3A_499, %gt3A_501 : vector<512x1xf32>
    %broadcast_in_dim3A_503 = vector.shape_cast %gt3A_502 : vector<512x1xi1> to vector<512x1xi1>
    %broadcast_in_dim3A_504 = vector.broadcast %broadcast_in_dim3A_503 : vector<512x1xi1> to vector<512x64xi1>
    %select_n3A_505 = arith.select %broadcast_in_dim3A_504, %bitcast_convert_type3A_498, %bitcast_convert_type3A_494 : vector<512x64xi1>, vector<512x64xf32>
    %slice3A_506 = vector.extract_strided_slice %bitcast_convert_type3A {offsets = [0, 2688], sizes = [512, 64], strides = [1, 1]} : vector<512x3328xi32> to vector<512x64xi32>
    %slice3A_507 = vector.extract_strided_slice %bitcast_convert_type3A {offsets = [0, 2752], sizes = [512, 64], strides = [1, 1]} : vector<512x3328xi32> to vector<512x64xi32>
    %slice3A_508 = vector.extract_strided_slice %get3A_4 {offsets = [0, 21], sizes = [512, 1], strides = [1, 1]} : vector<512x26xf32> to vector<512x1xf32>
    %gt3A_509 = arith.constant 5.000000e-01 : f32
    %gt3A_510 = vector.broadcast %gt3A_509 : f32 to vector<512x1xf32>
    %gt3A_511 = arith.cmpf ogt, %slice3A_508, %gt3A_510 : vector<512x1xf32>
    %broadcast_in_dim3A_512 = vector.shape_cast %gt3A_511 : vector<512x1xi1> to vector<512x1xi1>
    %broadcast_in_dim3A_513 = vector.broadcast %broadcast_in_dim3A_512 : vector<512x1xi1> to vector<512x64xi1>
    %select_n3A_514 = arith.select %broadcast_in_dim3A_513, %slice3A_507, %slice3A_506 : vector<512x64xi1>, vector<512x64xi32>
    %shift_left3A_515 = arith.constant 16 : i32
    %shift_left3A_516 = vector.broadcast %shift_left3A_515 : i32 to vector<512x64xi32>
    %shift_left3A_517 = arith.shli %select_n3A_514, %shift_left3A_516 : vector<512x64xi32>
    %bitcast_convert_type3A_518 = tpu.bitcast %shift_left3A_517 : vector<512x64xi32> -> vector<512x64xf32>
    %and3A_519 = arith.constant -65536 : i32
    %and3A_520 = vector.broadcast %and3A_519 : i32 to vector<512x64xi32>
    %and3A_521 = arith.andi %select_n3A_514, %and3A_520 : vector<512x64xi32>
    %bitcast_convert_type3A_522 = tpu.bitcast %and3A_521 : vector<512x64xi32> -> vector<512x64xf32>
    %slice3A_523 = vector.extract_strided_slice %get3A_7 {offsets = [0, 21], sizes = [512, 1], strides = [1, 1]} : vector<512x26xf32> to vector<512x1xf32>
    %gt3A_524 = arith.constant 5.000000e-01 : f32
    %gt3A_525 = vector.broadcast %gt3A_524 : f32 to vector<512x1xf32>
    %gt3A_526 = arith.cmpf ogt, %slice3A_523, %gt3A_525 : vector<512x1xf32>
    %broadcast_in_dim3A_527 = vector.shape_cast %gt3A_526 : vector<512x1xi1> to vector<512x1xi1>
    %broadcast_in_dim3A_528 = vector.broadcast %broadcast_in_dim3A_527 : vector<512x1xi1> to vector<512x64xi1>
    %select_n3A_529 = arith.select %broadcast_in_dim3A_528, %bitcast_convert_type3A_522, %bitcast_convert_type3A_518 : vector<512x64xi1>, vector<512x64xf32>
    %slice3A_530 = vector.extract_strided_slice %bitcast_convert_type3A {offsets = [0, 2816], sizes = [512, 64], strides = [1, 1]} : vector<512x3328xi32> to vector<512x64xi32>
    %slice3A_531 = vector.extract_strided_slice %bitcast_convert_type3A {offsets = [0, 2880], sizes = [512, 64], strides = [1, 1]} : vector<512x3328xi32> to vector<512x64xi32>
    %slice3A_532 = vector.extract_strided_slice %get3A_4 {offsets = [0, 22], sizes = [512, 1], strides = [1, 1]} : vector<512x26xf32> to vector<512x1xf32>
    %gt3A_533 = arith.constant 5.000000e-01 : f32
    %gt3A_534 = vector.broadcast %gt3A_533 : f32 to vector<512x1xf32>
    %gt3A_535 = arith.cmpf ogt, %slice3A_532, %gt3A_534 : vector<512x1xf32>
    %broadcast_in_dim3A_536 = vector.shape_cast %gt3A_535 : vector<512x1xi1> to vector<512x1xi1>
    %broadcast_in_dim3A_537 = vector.broadcast %broadcast_in_dim3A_536 : vector<512x1xi1> to vector<512x64xi1>
    %select_n3A_538 = arith.select %broadcast_in_dim3A_537, %slice3A_531, %slice3A_530 : vector<512x64xi1>, vector<512x64xi32>
    %shift_left3A_539 = arith.constant 16 : i32
    %shift_left3A_540 = vector.broadcast %shift_left3A_539 : i32 to vector<512x64xi32>
    %shift_left3A_541 = arith.shli %select_n3A_538, %shift_left3A_540 : vector<512x64xi32>
    %bitcast_convert_type3A_542 = tpu.bitcast %shift_left3A_541 : vector<512x64xi32> -> vector<512x64xf32>
    %and3A_543 = arith.constant -65536 : i32
    %and3A_544 = vector.broadcast %and3A_543 : i32 to vector<512x64xi32>
    %and3A_545 = arith.andi %select_n3A_538, %and3A_544 : vector<512x64xi32>
    %bitcast_convert_type3A_546 = tpu.bitcast %and3A_545 : vector<512x64xi32> -> vector<512x64xf32>
    %slice3A_547 = vector.extract_strided_slice %get3A_7 {offsets = [0, 22], sizes = [512, 1], strides = [1, 1]} : vector<512x26xf32> to vector<512x1xf32>
    %gt3A_548 = arith.constant 5.000000e-01 : f32
    %gt3A_549 = vector.broadcast %gt3A_548 : f32 to vector<512x1xf32>
    %gt3A_550 = arith.cmpf ogt, %slice3A_547, %gt3A_549 : vector<512x1xf32>
    %broadcast_in_dim3A_551 = vector.shape_cast %gt3A_550 : vector<512x1xi1> to vector<512x1xi1>
    %broadcast_in_dim3A_552 = vector.broadcast %broadcast_in_dim3A_551 : vector<512x1xi1> to vector<512x64xi1>
    %select_n3A_553 = arith.select %broadcast_in_dim3A_552, %bitcast_convert_type3A_546, %bitcast_convert_type3A_542 : vector<512x64xi1>, vector<512x64xf32>
    %slice3A_554 = vector.extract_strided_slice %bitcast_convert_type3A {offsets = [0, 2944], sizes = [512, 64], strides = [1, 1]} : vector<512x3328xi32> to vector<512x64xi32>
    %slice3A_555 = vector.extract_strided_slice %bitcast_convert_type3A {offsets = [0, 3008], sizes = [512, 64], strides = [1, 1]} : vector<512x3328xi32> to vector<512x64xi32>
    %slice3A_556 = vector.extract_strided_slice %get3A_4 {offsets = [0, 23], sizes = [512, 1], strides = [1, 1]} : vector<512x26xf32> to vector<512x1xf32>
    %gt3A_557 = arith.constant 5.000000e-01 : f32
    %gt3A_558 = vector.broadcast %gt3A_557 : f32 to vector<512x1xf32>
    %gt3A_559 = arith.cmpf ogt, %slice3A_556, %gt3A_558 : vector<512x1xf32>
    %broadcast_in_dim3A_560 = vector.shape_cast %gt3A_559 : vector<512x1xi1> to vector<512x1xi1>
    %broadcast_in_dim3A_561 = vector.broadcast %broadcast_in_dim3A_560 : vector<512x1xi1> to vector<512x64xi1>
    %select_n3A_562 = arith.select %broadcast_in_dim3A_561, %slice3A_555, %slice3A_554 : vector<512x64xi1>, vector<512x64xi32>
    %shift_left3A_563 = arith.constant 16 : i32
    %shift_left3A_564 = vector.broadcast %shift_left3A_563 : i32 to vector<512x64xi32>
    %shift_left3A_565 = arith.shli %select_n3A_562, %shift_left3A_564 : vector<512x64xi32>
    %bitcast_convert_type3A_566 = tpu.bitcast %shift_left3A_565 : vector<512x64xi32> -> vector<512x64xf32>
    %and3A_567 = arith.constant -65536 : i32
    %and3A_568 = vector.broadcast %and3A_567 : i32 to vector<512x64xi32>
    %and3A_569 = arith.andi %select_n3A_562, %and3A_568 : vector<512x64xi32>
    %bitcast_convert_type3A_570 = tpu.bitcast %and3A_569 : vector<512x64xi32> -> vector<512x64xf32>
    %slice3A_571 = vector.extract_strided_slice %get3A_7 {offsets = [0, 23], sizes = [512, 1], strides = [1, 1]} : vector<512x26xf32> to vector<512x1xf32>
    %gt3A_572 = arith.constant 5.000000e-01 : f32
    %gt3A_573 = vector.broadcast %gt3A_572 : f32 to vector<512x1xf32>
    %gt3A_574 = arith.cmpf ogt, %slice3A_571, %gt3A_573 : vector<512x1xf32>
    %broadcast_in_dim3A_575 = vector.shape_cast %gt3A_574 : vector<512x1xi1> to vector<512x1xi1>
    %broadcast_in_dim3A_576 = vector.broadcast %broadcast_in_dim3A_575 : vector<512x1xi1> to vector<512x64xi1>
    %select_n3A_577 = arith.select %broadcast_in_dim3A_576, %bitcast_convert_type3A_570, %bitcast_convert_type3A_566 : vector<512x64xi1>, vector<512x64xf32>
    %slice3A_578 = vector.extract_strided_slice %bitcast_convert_type3A {offsets = [0, 3072], sizes = [512, 64], strides = [1, 1]} : vector<512x3328xi32> to vector<512x64xi32>
    %slice3A_579 = vector.extract_strided_slice %bitcast_convert_type3A {offsets = [0, 3136], sizes = [512, 64], strides = [1, 1]} : vector<512x3328xi32> to vector<512x64xi32>
    %slice3A_580 = vector.extract_strided_slice %get3A_4 {offsets = [0, 24], sizes = [512, 1], strides = [1, 1]} : vector<512x26xf32> to vector<512x1xf32>
    %gt3A_581 = arith.constant 5.000000e-01 : f32
    %gt3A_582 = vector.broadcast %gt3A_581 : f32 to vector<512x1xf32>
    %gt3A_583 = arith.cmpf ogt, %slice3A_580, %gt3A_582 : vector<512x1xf32>
    %broadcast_in_dim3A_584 = vector.shape_cast %gt3A_583 : vector<512x1xi1> to vector<512x1xi1>
    %broadcast_in_dim3A_585 = vector.broadcast %broadcast_in_dim3A_584 : vector<512x1xi1> to vector<512x64xi1>
    %select_n3A_586 = arith.select %broadcast_in_dim3A_585, %slice3A_579, %slice3A_578 : vector<512x64xi1>, vector<512x64xi32>
    %shift_left3A_587 = arith.constant 16 : i32
    %shift_left3A_588 = vector.broadcast %shift_left3A_587 : i32 to vector<512x64xi32>
    %shift_left3A_589 = arith.shli %select_n3A_586, %shift_left3A_588 : vector<512x64xi32>
    %bitcast_convert_type3A_590 = tpu.bitcast %shift_left3A_589 : vector<512x64xi32> -> vector<512x64xf32>
    %and3A_591 = arith.constant -65536 : i32
    %and3A_592 = vector.broadcast %and3A_591 : i32 to vector<512x64xi32>
    %and3A_593 = arith.andi %select_n3A_586, %and3A_592 : vector<512x64xi32>
    %bitcast_convert_type3A_594 = tpu.bitcast %and3A_593 : vector<512x64xi32> -> vector<512x64xf32>
    %slice3A_595 = vector.extract_strided_slice %get3A_7 {offsets = [0, 24], sizes = [512, 1], strides = [1, 1]} : vector<512x26xf32> to vector<512x1xf32>
    %gt3A_596 = arith.constant 5.000000e-01 : f32
    %gt3A_597 = vector.broadcast %gt3A_596 : f32 to vector<512x1xf32>
    %gt3A_598 = arith.cmpf ogt, %slice3A_595, %gt3A_597 : vector<512x1xf32>
    %broadcast_in_dim3A_599 = vector.shape_cast %gt3A_598 : vector<512x1xi1> to vector<512x1xi1>
    %broadcast_in_dim3A_600 = vector.broadcast %broadcast_in_dim3A_599 : vector<512x1xi1> to vector<512x64xi1>
    %select_n3A_601 = arith.select %broadcast_in_dim3A_600, %bitcast_convert_type3A_594, %bitcast_convert_type3A_590 : vector<512x64xi1>, vector<512x64xf32>
    %slice3A_602 = vector.extract_strided_slice %bitcast_convert_type3A {offsets = [0, 3200], sizes = [512, 64], strides = [1, 1]} : vector<512x3328xi32> to vector<512x64xi32>
    %slice3A_603 = vector.extract_strided_slice %bitcast_convert_type3A {offsets = [0, 3264], sizes = [512, 64], strides = [1, 1]} : vector<512x3328xi32> to vector<512x64xi32>
    %slice3A_604 = vector.extract_strided_slice %get3A_4 {offsets = [0, 25], sizes = [512, 1], strides = [1, 1]} : vector<512x26xf32> to vector<512x1xf32>
    %gt3A_605 = arith.constant 5.000000e-01 : f32
    %gt3A_606 = vector.broadcast %gt3A_605 : f32 to vector<512x1xf32>
    %gt3A_607 = arith.cmpf ogt, %slice3A_604, %gt3A_606 : vector<512x1xf32>
    %broadcast_in_dim3A_608 = vector.shape_cast %gt3A_607 : vector<512x1xi1> to vector<512x1xi1>
    %broadcast_in_dim3A_609 = vector.broadcast %broadcast_in_dim3A_608 : vector<512x1xi1> to vector<512x64xi1>
    %select_n3A_610 = arith.select %broadcast_in_dim3A_609, %slice3A_603, %slice3A_602 : vector<512x64xi1>, vector<512x64xi32>
    %shift_left3A_611 = arith.constant 16 : i32
    %shift_left3A_612 = vector.broadcast %shift_left3A_611 : i32 to vector<512x64xi32>
    %shift_left3A_613 = arith.shli %select_n3A_610, %shift_left3A_612 : vector<512x64xi32>
    %bitcast_convert_type3A_614 = tpu.bitcast %shift_left3A_613 : vector<512x64xi32> -> vector<512x64xf32>
    %and3A_615 = arith.constant -65536 : i32
    %and3A_616 = vector.broadcast %and3A_615 : i32 to vector<512x64xi32>
    %and3A_617 = arith.andi %select_n3A_610, %and3A_616 : vector<512x64xi32>
    %bitcast_convert_type3A_618 = tpu.bitcast %and3A_617 : vector<512x64xi32> -> vector<512x64xf32>
    %slice3A_619 = vector.extract_strided_slice %get3A_7 {offsets = [0, 25], sizes = [512, 1], strides = [1, 1]} : vector<512x26xf32> to vector<512x1xf32>
    %gt3A_620 = arith.constant 5.000000e-01 : f32
    %gt3A_621 = vector.broadcast %gt3A_620 : f32 to vector<512x1xf32>
    %gt3A_622 = arith.cmpf ogt, %slice3A_619, %gt3A_621 : vector<512x1xf32>
    %broadcast_in_dim3A_623 = vector.shape_cast %gt3A_622 : vector<512x1xi1> to vector<512x1xi1>
    %broadcast_in_dim3A_624 = vector.broadcast %broadcast_in_dim3A_623 : vector<512x1xi1> to vector<512x64xi1>
    %select_n3A_625 = arith.select %broadcast_in_dim3A_624, %bitcast_convert_type3A_618, %bitcast_convert_type3A_614 : vector<512x64xi1>, vector<512x64xf32>
    %concatenate3A = tpu.concatenate %select_n3A_25, %select_n3A_49, %select_n3A_73, %select_n3A_97, %select_n3A_121, %select_n3A_145, %select_n3A_169, %select_n3A_193, %select_n3A_217, %select_n3A_241, %select_n3A_265, %select_n3A_289, %select_n3A_313, %select_n3A_337, %select_n3A_361, %select_n3A_385, %select_n3A_409, %select_n3A_433, %select_n3A_457, %select_n3A_481, %select_n3A_505, %select_n3A_529, %select_n3A_553, %select_n3A_577, %select_n3A_601, %select_n3A_625 in 1 : vector<512x64xf32>, vector<512x64xf32>, vector<512x64xf32>, vector<512x64xf32>, vector<512x64xf32>, vector<512x64xf32>, vector<512x64xf32>, vector<512x64xf32>, vector<512x64xf32>, vector<512x64xf32>, vector<512x64xf32>, vector<512x64xf32>, vector<512x64xf32>, vector<512x64xf32>, vector<512x64xf32>, vector<512x64xf32>, vector<512x64xf32>, vector<512x64xf32>, vector<512x64xf32>, vector<512x64xf32>, vector<512x64xf32>, vector<512x64xf32>, vector<512x64xf32>, vector<512x64xf32>, vector<512x64xf32>, vector<512x64xf32> -> vector<512x1664xf32>
    %convert_element_type3A = arith.truncf %concatenate3A : vector<512x1664xf32> to vector<512x1664xbf16>
    %broadcast_in_dim3A_626 = arith.constant 0.000000e+00 : f32
    %broadcast_in_dim3A_627 = vector.broadcast %broadcast_in_dim3A_626 : f32 to vector<512x256xf32>
    %slice3A_628 = vector.extract_strided_slice %convert_element_type3A {offsets = [0, 0], sizes = [512, 64], strides = [1, 1]} : vector<512x1664xbf16> to vector<512x64xbf16>
    %slice3A_629 = vector.extract_strided_slice %convert_element_type3A {offsets = [0, 64], sizes = [512, 1600], strides = [1, 1]} : vector<512x1664xbf16> to vector<512x1600xbf16>
    %concatenate3A_630 = tpu.concatenate %slice3A_628, %slice3A_628, %slice3A_628, %slice3A_628, %slice3A_628, %slice3A_628, %slice3A_628, %slice3A_628, %slice3A_628, %slice3A_628, %slice3A_628, %slice3A_628, %slice3A_628, %slice3A_628, %slice3A_628, %slice3A_628, %slice3A_628, %slice3A_628, %slice3A_628, %slice3A_628, %slice3A_628, %slice3A_628, %slice3A_628, %slice3A_628, %slice3A_628 in 1 : vector<512x64xbf16>, vector<512x64xbf16>, vector<512x64xbf16>, vector<512x64xbf16>, vector<512x64xbf16>, vector<512x64xbf16>, vector<512x64xbf16>, vector<512x64xbf16>, vector<512x64xbf16>, vector<512x64xbf16>, vector<512x64xbf16>, vector<512x64xbf16>, vector<512x64xbf16>, vector<512x64xbf16>, vector<512x64xbf16>, vector<512x64xbf16>, vector<512x64xbf16>, vector<512x64xbf16>, vector<512x64xbf16>, vector<512x64xbf16>, vector<512x64xbf16>, vector<512x64xbf16>, vector<512x64xbf16>, vector<512x64xbf16>, vector<512x64xbf16> -> vector<512x1600xbf16>
    %mul3A = arith.mulf %concatenate3A_630, %slice3A_629 : vector<512x1600xbf16>
    %get3A_631 = arith.constant 0 : index
    %get3A_632 = arith.constant 0 : index
    %get3A_633 = vector.load %arg8[%get3A_631, %get3A_632] : memref<20800x256xbf16, #tpu.memory_space<vmem>>, vector<1600x256xbf16>
    %dot_general3A = arith.constant dense<0.000000e+00> : vector<512x256xf32>
    %dot_general3A_634 = tpu.matmul %mul3A, %get3A_633, %dot_general3A {dimension_numbers = #tpu.dot_dimension_numbers<[1], [0], [0], [1], [0, 0, 1, 1], [], []>, transpose_lhs_hint = false} : vector<512x1600xbf16>, vector<1600x256xbf16>, vector<512x256xf32> -> vector<512x256xf32>
    %add3A = arith.addf %broadcast_in_dim3A_627, %dot_general3A_634 : vector<512x256xf32>
    %slice3A_635 = vector.extract_strided_slice %convert_element_type3A {offsets = [0, 64], sizes = [512, 64], strides = [1, 1]} : vector<512x1664xbf16> to vector<512x64xbf16>
    %slice3A_636 = vector.extract_strided_slice %convert_element_type3A {offsets = [0, 128], sizes = [512, 1536], strides = [1, 1]} : vector<512x1664xbf16> to vector<512x1536xbf16>
    %concatenate3A_637 = tpu.concatenate %slice3A_635, %slice3A_635, %slice3A_635, %slice3A_635, %slice3A_635, %slice3A_635, %slice3A_635, %slice3A_635, %slice3A_635, %slice3A_635, %slice3A_635, %slice3A_635, %slice3A_635, %slice3A_635, %slice3A_635, %slice3A_635, %slice3A_635, %slice3A_635, %slice3A_635, %slice3A_635, %slice3A_635, %slice3A_635, %slice3A_635, %slice3A_635 in 1 : vector<512x64xbf16>, vector<512x64xbf16>, vector<512x64xbf16>, vector<512x64xbf16>, vector<512x64xbf16>, vector<512x64xbf16>, vector<512x64xbf16>, vector<512x64xbf16>, vector<512x64xbf16>, vector<512x64xbf16>, vector<512x64xbf16>, vector<512x64xbf16>, vector<512x64xbf16>, vector<512x64xbf16>, vector<512x64xbf16>, vector<512x64xbf16>, vector<512x64xbf16>, vector<512x64xbf16>, vector<512x64xbf16>, vector<512x64xbf16>, vector<512x64xbf16>, vector<512x64xbf16>, vector<512x64xbf16>, vector<512x64xbf16> -> vector<512x1536xbf16>
    %mul3A_638 = arith.mulf %concatenate3A_637, %slice3A_636 : vector<512x1536xbf16>
    %get3A_639 = arith.constant 1600 : index
    %get3A_640 = arith.constant 0 : index
    %get3A_641 = vector.load %arg8[%get3A_639, %get3A_640] : memref<20800x256xbf16, #tpu.memory_space<vmem>>, vector<1536x256xbf16>
    %dot_general3A_642 = arith.constant dense<0.000000e+00> : vector<512x256xf32>
    %dot_general3A_643 = tpu.matmul %mul3A_638, %get3A_641, %dot_general3A_642 {dimension_numbers = #tpu.dot_dimension_numbers<[1], [0], [0], [1], [0, 0, 1, 1], [], []>, transpose_lhs_hint = false} : vector<512x1536xbf16>, vector<1536x256xbf16>, vector<512x256xf32> -> vector<512x256xf32>
    %add3A_644 = arith.addf %add3A, %dot_general3A_643 : vector<512x256xf32>
    %slice3A_645 = vector.extract_strided_slice %convert_element_type3A {offsets = [0, 128], sizes = [512, 64], strides = [1, 1]} : vector<512x1664xbf16> to vector<512x64xbf16>
    %slice3A_646 = vector.extract_strided_slice %convert_element_type3A {offsets = [0, 192], sizes = [512, 1472], strides = [1, 1]} : vector<512x1664xbf16> to vector<512x1472xbf16>
    %concatenate3A_647 = tpu.concatenate %slice3A_645, %slice3A_645, %slice3A_645, %slice3A_645, %slice3A_645, %slice3A_645, %slice3A_645, %slice3A_645, %slice3A_645, %slice3A_645, %slice3A_645, %slice3A_645, %slice3A_645, %slice3A_645, %slice3A_645, %slice3A_645, %slice3A_645, %slice3A_645, %slice3A_645, %slice3A_645, %slice3A_645, %slice3A_645, %slice3A_645 in 1 : vector<512x64xbf16>, vector<512x64xbf16>, vector<512x64xbf16>, vector<512x64xbf16>, vector<512x64xbf16>, vector<512x64xbf16>, vector<512x64xbf16>, vector<512x64xbf16>, vector<512x64xbf16>, vector<512x64xbf16>, vector<512x64xbf16>, vector<512x64xbf16>, vector<512x64xbf16>, vector<512x64xbf16>, vector<512x64xbf16>, vector<512x64xbf16>, vector<512x64xbf16>, vector<512x64xbf16>, vector<512x64xbf16>, vector<512x64xbf16>, vector<512x64xbf16>, vector<512x64xbf16>, vector<512x64xbf16> -> vector<512x1472xbf16>
    %mul3A_648 = arith.mulf %concatenate3A_647, %slice3A_646 : vector<512x1472xbf16>
    %get3A_649 = arith.constant 3136 : index
    %get3A_650 = arith.constant 0 : index
    %get3A_651 = vector.load %arg8[%get3A_649, %get3A_650] : memref<20800x256xbf16, #tpu.memory_space<vmem>>, vector<1472x256xbf16>
    %dot_general3A_652 = arith.constant dense<0.000000e+00> : vector<512x256xf32>
    %dot_general3A_653 = tpu.matmul %mul3A_648, %get3A_651, %dot_general3A_652 {dimension_numbers = #tpu.dot_dimension_numbers<[1], [0], [0], [1], [0, 0, 1, 1], [], []>, transpose_lhs_hint = false} : vector<512x1472xbf16>, vector<1472x256xbf16>, vector<512x256xf32> -> vector<512x256xf32>
    %add3A_654 = arith.addf %add3A_644, %dot_general3A_653 : vector<512x256xf32>
    %slice3A_655 = vector.extract_strided_slice %convert_element_type3A {offsets = [0, 192], sizes = [512, 64], strides = [1, 1]} : vector<512x1664xbf16> to vector<512x64xbf16>
    %slice3A_656 = vector.extract_strided_slice %convert_element_type3A {offsets = [0, 256], sizes = [512, 1408], strides = [1, 1]} : vector<512x1664xbf16> to vector<512x1408xbf16>
    %concatenate3A_657 = tpu.concatenate %slice3A_655, %slice3A_655, %slice3A_655, %slice3A_655, %slice3A_655, %slice3A_655, %slice3A_655, %slice3A_655, %slice3A_655, %slice3A_655, %slice3A_655, %slice3A_655, %slice3A_655, %slice3A_655, %slice3A_655, %slice3A_655, %slice3A_655, %slice3A_655, %slice3A_655, %slice3A_655, %slice3A_655, %slice3A_655 in 1 : vector<512x64xbf16>, vector<512x64xbf16>, vector<512x64xbf16>, vector<512x64xbf16>, vector<512x64xbf16>, vector<512x64xbf16>, vector<512x64xbf16>, vector<512x64xbf16>, vector<512x64xbf16>, vector<512x64xbf16>, vector<512x64xbf16>, vector<512x64xbf16>, vector<512x64xbf16>, vector<512x64xbf16>, vector<512x64xbf16>, vector<512x64xbf16>, vector<512x64xbf16>, vector<512x64xbf16>, vector<512x64xbf16>, vector<512x64xbf16>, vector<512x64xbf16>, vector<512x64xbf16> -> vector<512x1408xbf16>
    %mul3A_658 = arith.mulf %concatenate3A_657, %slice3A_656 : vector<512x1408xbf16>
    %get3A_659 = arith.constant 4608 : index
    %get3A_660 = arith.constant 0 : index
    %get3A_661 = vector.load %arg8[%get3A_659, %get3A_660] : memref<20800x256xbf16, #tpu.memory_space<vmem>>, vector<1408x256xbf16>
    %dot_general3A_662 = arith.constant dense<0.000000e+00> : vector<512x256xf32>
    %dot_general3A_663 = tpu.matmul %mul3A_658, %get3A_661, %dot_general3A_662 {dimension_numbers = #tpu.dot_dimension_numbers<[1], [0], [0], [1], [0, 0, 1, 1], [], []>, transpose_lhs_hint = false} : vector<512x1408xbf16>, vector<1408x256xbf16>, vector<512x256xf32> -> vector<512x256xf32>
    %add3A_664 = arith.addf %add3A_654, %dot_general3A_663 : vector<512x256xf32>
    %slice3A_665 = vector.extract_strided_slice %convert_element_type3A {offsets = [0, 256], sizes = [512, 64], strides = [1, 1]} : vector<512x1664xbf16> to vector<512x64xbf16>
    %slice3A_666 = vector.extract_strided_slice %convert_element_type3A {offsets = [0, 320], sizes = [512, 1344], strides = [1, 1]} : vector<512x1664xbf16> to vector<512x1344xbf16>
    %concatenate3A_667 = tpu.concatenate %slice3A_665, %slice3A_665, %slice3A_665, %slice3A_665, %slice3A_665, %slice3A_665, %slice3A_665, %slice3A_665, %slice3A_665, %slice3A_665, %slice3A_665, %slice3A_665, %slice3A_665, %slice3A_665, %slice3A_665, %slice3A_665, %slice3A_665, %slice3A_665, %slice3A_665, %slice3A_665, %slice3A_665 in 1 : vector<512x64xbf16>, vector<512x64xbf16>, vector<512x64xbf16>, vector<512x64xbf16>, vector<512x64xbf16>, vector<512x64xbf16>, vector<512x64xbf16>, vector<512x64xbf16>, vector<512x64xbf16>, vector<512x64xbf16>, vector<512x64xbf16>, vector<512x64xbf16>, vector<512x64xbf16>, vector<512x64xbf16>, vector<512x64xbf16>, vector<512x64xbf16>, vector<512x64xbf16>, vector<512x64xbf16>, vector<512x64xbf16>, vector<512x64xbf16>, vector<512x64xbf16> -> vector<512x1344xbf16>
    %mul3A_668 = arith.mulf %concatenate3A_667, %slice3A_666 : vector<512x1344xbf16>
    %get3A_669 = arith.constant 6016 : index
    %get3A_670 = arith.constant 0 : index
    %get3A_671 = vector.load %arg8[%get3A_669, %get3A_670] : memref<20800x256xbf16, #tpu.memory_space<vmem>>, vector<1344x256xbf16>
    %dot_general3A_672 = arith.constant dense<0.000000e+00> : vector<512x256xf32>
    %dot_general3A_673 = tpu.matmul %mul3A_668, %get3A_671, %dot_general3A_672 {dimension_numbers = #tpu.dot_dimension_numbers<[1], [0], [0], [1], [0, 0, 1, 1], [], []>, transpose_lhs_hint = false} : vector<512x1344xbf16>, vector<1344x256xbf16>, vector<512x256xf32> -> vector<512x256xf32>
    %add3A_674 = arith.addf %add3A_664, %dot_general3A_673 : vector<512x256xf32>
    %slice3A_675 = vector.extract_strided_slice %convert_element_type3A {offsets = [0, 320], sizes = [512, 64], strides = [1, 1]} : vector<512x1664xbf16> to vector<512x64xbf16>
    %slice3A_676 = vector.extract_strided_slice %convert_element_type3A {offsets = [0, 384], sizes = [512, 1280], strides = [1, 1]} : vector<512x1664xbf16> to vector<512x1280xbf16>
    %concatenate3A_677 = tpu.concatenate %slice3A_675, %slice3A_675, %slice3A_675, %slice3A_675, %slice3A_675, %slice3A_675, %slice3A_675, %slice3A_675, %slice3A_675, %slice3A_675, %slice3A_675, %slice3A_675, %slice3A_675, %slice3A_675, %slice3A_675, %slice3A_675, %slice3A_675, %slice3A_675, %slice3A_675, %slice3A_675 in 1 : vector<512x64xbf16>, vector<512x64xbf16>, vector<512x64xbf16>, vector<512x64xbf16>, vector<512x64xbf16>, vector<512x64xbf16>, vector<512x64xbf16>, vector<512x64xbf16>, vector<512x64xbf16>, vector<512x64xbf16>, vector<512x64xbf16>, vector<512x64xbf16>, vector<512x64xbf16>, vector<512x64xbf16>, vector<512x64xbf16>, vector<512x64xbf16>, vector<512x64xbf16>, vector<512x64xbf16>, vector<512x64xbf16>, vector<512x64xbf16> -> vector<512x1280xbf16>
    %mul3A_678 = arith.mulf %concatenate3A_677, %slice3A_676 : vector<512x1280xbf16>
    %get3A_679 = arith.constant 7360 : index
    %get3A_680 = arith.constant 0 : index
    %get3A_681 = vector.load %arg8[%get3A_679, %get3A_680] : memref<20800x256xbf16, #tpu.memory_space<vmem>>, vector<1280x256xbf16>
    %dot_general3A_682 = arith.constant dense<0.000000e+00> : vector<512x256xf32>
    %dot_general3A_683 = tpu.matmul %mul3A_678, %get3A_681, %dot_general3A_682 {dimension_numbers = #tpu.dot_dimension_numbers<[1], [0], [0], [1], [0, 0, 1, 1], [], []>, transpose_lhs_hint = false} : vector<512x1280xbf16>, vector<1280x256xbf16>, vector<512x256xf32> -> vector<512x256xf32>
    %add3A_684 = arith.addf %add3A_674, %dot_general3A_683 : vector<512x256xf32>
    %slice3A_685 = vector.extract_strided_slice %convert_element_type3A {offsets = [0, 384], sizes = [512, 64], strides = [1, 1]} : vector<512x1664xbf16> to vector<512x64xbf16>
    %slice3A_686 = vector.extract_strided_slice %convert_element_type3A {offsets = [0, 448], sizes = [512, 1216], strides = [1, 1]} : vector<512x1664xbf16> to vector<512x1216xbf16>
    %concatenate3A_687 = tpu.concatenate %slice3A_685, %slice3A_685, %slice3A_685, %slice3A_685, %slice3A_685, %slice3A_685, %slice3A_685, %slice3A_685, %slice3A_685, %slice3A_685, %slice3A_685, %slice3A_685, %slice3A_685, %slice3A_685, %slice3A_685, %slice3A_685, %slice3A_685, %slice3A_685, %slice3A_685 in 1 : vector<512x64xbf16>, vector<512x64xbf16>, vector<512x64xbf16>, vector<512x64xbf16>, vector<512x64xbf16>, vector<512x64xbf16>, vector<512x64xbf16>, vector<512x64xbf16>, vector<512x64xbf16>, vector<512x64xbf16>, vector<512x64xbf16>, vector<512x64xbf16>, vector<512x64xbf16>, vector<512x64xbf16>, vector<512x64xbf16>, vector<512x64xbf16>, vector<512x64xbf16>, vector<512x64xbf16>, vector<512x64xbf16> -> vector<512x1216xbf16>
    %mul3A_688 = arith.mulf %concatenate3A_687, %slice3A_686 : vector<512x1216xbf16>
    %get3A_689 = arith.constant 8640 : index
    %get3A_690 = arith.constant 0 : index
    %get3A_691 = vector.load %arg8[%get3A_689, %get3A_690] : memref<20800x256xbf16, #tpu.memory_space<vmem>>, vector<1216x256xbf16>
    %dot_general3A_692 = arith.constant dense<0.000000e+00> : vector<512x256xf32>
    %dot_general3A_693 = tpu.matmul %mul3A_688, %get3A_691, %dot_general3A_692 {dimension_numbers = #tpu.dot_dimension_numbers<[1], [0], [0], [1], [0, 0, 1, 1], [], []>, transpose_lhs_hint = false} : vector<512x1216xbf16>, vector<1216x256xbf16>, vector<512x256xf32> -> vector<512x256xf32>
    %add3A_694 = arith.addf %add3A_684, %dot_general3A_693 : vector<512x256xf32>
    %slice3A_695 = vector.extract_strided_slice %convert_element_type3A {offsets = [0, 448], sizes = [512, 64], strides = [1, 1]} : vector<512x1664xbf16> to vector<512x64xbf16>
    %slice3A_696 = vector.extract_strided_slice %convert_element_type3A {offsets = [0, 512], sizes = [512, 1152], strides = [1, 1]} : vector<512x1664xbf16> to vector<512x1152xbf16>
    %concatenate3A_697 = tpu.concatenate %slice3A_695, %slice3A_695, %slice3A_695, %slice3A_695, %slice3A_695, %slice3A_695, %slice3A_695, %slice3A_695, %slice3A_695, %slice3A_695, %slice3A_695, %slice3A_695, %slice3A_695, %slice3A_695, %slice3A_695, %slice3A_695, %slice3A_695, %slice3A_695 in 1 : vector<512x64xbf16>, vector<512x64xbf16>, vector<512x64xbf16>, vector<512x64xbf16>, vector<512x64xbf16>, vector<512x64xbf16>, vector<512x64xbf16>, vector<512x64xbf16>, vector<512x64xbf16>, vector<512x64xbf16>, vector<512x64xbf16>, vector<512x64xbf16>, vector<512x64xbf16>, vector<512x64xbf16>, vector<512x64xbf16>, vector<512x64xbf16>, vector<512x64xbf16>, vector<512x64xbf16> -> vector<512x1152xbf16>
    %mul3A_698 = arith.mulf %concatenate3A_697, %slice3A_696 : vector<512x1152xbf16>
    %get3A_699 = arith.constant 9856 : index
    %get3A_700 = arith.constant 0 : index
    %get3A_701 = vector.load %arg8[%get3A_699, %get3A_700] : memref<20800x256xbf16, #tpu.memory_space<vmem>>, vector<1152x256xbf16>
    %dot_general3A_702 = arith.constant dense<0.000000e+00> : vector<512x256xf32>
    %dot_general3A_703 = tpu.matmul %mul3A_698, %get3A_701, %dot_general3A_702 {dimension_numbers = #tpu.dot_dimension_numbers<[1], [0], [0], [1], [0, 0, 1, 1], [], []>, transpose_lhs_hint = false} : vector<512x1152xbf16>, vector<1152x256xbf16>, vector<512x256xf32> -> vector<512x256xf32>
    %add3A_704 = arith.addf %add3A_694, %dot_general3A_703 : vector<512x256xf32>
    %slice3A_705 = vector.extract_strided_slice %convert_element_type3A {offsets = [0, 512], sizes = [512, 64], strides = [1, 1]} : vector<512x1664xbf16> to vector<512x64xbf16>
    %slice3A_706 = vector.extract_strided_slice %convert_element_type3A {offsets = [0, 576], sizes = [512, 1088], strides = [1, 1]} : vector<512x1664xbf16> to vector<512x1088xbf16>
    %concatenate3A_707 = tpu.concatenate %slice3A_705, %slice3A_705, %slice3A_705, %slice3A_705, %slice3A_705, %slice3A_705, %slice3A_705, %slice3A_705, %slice3A_705, %slice3A_705, %slice3A_705, %slice3A_705, %slice3A_705, %slice3A_705, %slice3A_705, %slice3A_705, %slice3A_705 in 1 : vector<512x64xbf16>, vector<512x64xbf16>, vector<512x64xbf16>, vector<512x64xbf16>, vector<512x64xbf16>, vector<512x64xbf16>, vector<512x64xbf16>, vector<512x64xbf16>, vector<512x64xbf16>, vector<512x64xbf16>, vector<512x64xbf16>, vector<512x64xbf16>, vector<512x64xbf16>, vector<512x64xbf16>, vector<512x64xbf16>, vector<512x64xbf16>, vector<512x64xbf16> -> vector<512x1088xbf16>
    %mul3A_708 = arith.mulf %concatenate3A_707, %slice3A_706 : vector<512x1088xbf16>
    %get3A_709 = arith.constant 11008 : index
    %get3A_710 = arith.constant 0 : index
    %get3A_711 = vector.load %arg8[%get3A_709, %get3A_710] : memref<20800x256xbf16, #tpu.memory_space<vmem>>, vector<1088x256xbf16>
    %dot_general3A_712 = arith.constant dense<0.000000e+00> : vector<512x256xf32>
    %dot_general3A_713 = tpu.matmul %mul3A_708, %get3A_711, %dot_general3A_712 {dimension_numbers = #tpu.dot_dimension_numbers<[1], [0], [0], [1], [0, 0, 1, 1], [], []>, transpose_lhs_hint = false} : vector<512x1088xbf16>, vector<1088x256xbf16>, vector<512x256xf32> -> vector<512x256xf32>
    %add3A_714 = arith.addf %add3A_704, %dot_general3A_713 : vector<512x256xf32>
    %slice3A_715 = vector.extract_strided_slice %convert_element_type3A {offsets = [0, 576], sizes = [512, 64], strides = [1, 1]} : vector<512x1664xbf16> to vector<512x64xbf16>
    %slice3A_716 = vector.extract_strided_slice %convert_element_type3A {offsets = [0, 640], sizes = [512, 1024], strides = [1, 1]} : vector<512x1664xbf16> to vector<512x1024xbf16>
    %concatenate3A_717 = tpu.concatenate %slice3A_715, %slice3A_715, %slice3A_715, %slice3A_715, %slice3A_715, %slice3A_715, %slice3A_715, %slice3A_715, %slice3A_715, %slice3A_715, %slice3A_715, %slice3A_715, %slice3A_715, %slice3A_715, %slice3A_715, %slice3A_715 in 1 : vector<512x64xbf16>, vector<512x64xbf16>, vector<512x64xbf16>, vector<512x64xbf16>, vector<512x64xbf16>, vector<512x64xbf16>, vector<512x64xbf16>, vector<512x64xbf16>, vector<512x64xbf16>, vector<512x64xbf16>, vector<512x64xbf16>, vector<512x64xbf16>, vector<512x64xbf16>, vector<512x64xbf16>, vector<512x64xbf16>, vector<512x64xbf16> -> vector<512x1024xbf16>
    %mul3A_718 = arith.mulf %concatenate3A_717, %slice3A_716 : vector<512x1024xbf16>
    %get3A_719 = arith.constant 12096 : index
    %get3A_720 = arith.constant 0 : index
    %get3A_721 = vector.load %arg8[%get3A_719, %get3A_720] : memref<20800x256xbf16, #tpu.memory_space<vmem>>, vector<1024x256xbf16>
    %dot_general3A_722 = arith.constant dense<0.000000e+00> : vector<512x256xf32>
    %dot_general3A_723 = tpu.matmul %mul3A_718, %get3A_721, %dot_general3A_722 {dimension_numbers = #tpu.dot_dimension_numbers<[1], [0], [0], [1], [0, 0, 1, 1], [], []>, transpose_lhs_hint = false} : vector<512x1024xbf16>, vector<1024x256xbf16>, vector<512x256xf32> -> vector<512x256xf32>
    %add3A_724 = arith.addf %add3A_714, %dot_general3A_723 : vector<512x256xf32>
    %slice3A_725 = vector.extract_strided_slice %convert_element_type3A {offsets = [0, 640], sizes = [512, 64], strides = [1, 1]} : vector<512x1664xbf16> to vector<512x64xbf16>
    %slice3A_726 = vector.extract_strided_slice %convert_element_type3A {offsets = [0, 704], sizes = [512, 960], strides = [1, 1]} : vector<512x1664xbf16> to vector<512x960xbf16>
    %concatenate3A_727 = tpu.concatenate %slice3A_725, %slice3A_725, %slice3A_725, %slice3A_725, %slice3A_725, %slice3A_725, %slice3A_725, %slice3A_725, %slice3A_725, %slice3A_725, %slice3A_725, %slice3A_725, %slice3A_725, %slice3A_725, %slice3A_725 in 1 : vector<512x64xbf16>, vector<512x64xbf16>, vector<512x64xbf16>, vector<512x64xbf16>, vector<512x64xbf16>, vector<512x64xbf16>, vector<512x64xbf16>, vector<512x64xbf16>, vector<512x64xbf16>, vector<512x64xbf16>, vector<512x64xbf16>, vector<512x64xbf16>, vector<512x64xbf16>, vector<512x64xbf16>, vector<512x64xbf16> -> vector<512x960xbf16>
    %mul3A_728 = arith.mulf %concatenate3A_727, %slice3A_726 : vector<512x960xbf16>
    %get3A_729 = arith.constant 13120 : index
    %get3A_730 = arith.constant 0 : index
    %get3A_731 = vector.load %arg8[%get3A_729, %get3A_730] : memref<20800x256xbf16, #tpu.memory_space<vmem>>, vector<960x256xbf16>
    %dot_general3A_732 = arith.constant dense<0.000000e+00> : vector<512x256xf32>
    %dot_general3A_733 = tpu.matmul %mul3A_728, %get3A_731, %dot_general3A_732 {dimension_numbers = #tpu.dot_dimension_numbers<[1], [0], [0], [1], [0, 0, 1, 1], [], []>, transpose_lhs_hint = false} : vector<512x960xbf16>, vector<960x256xbf16>, vector<512x256xf32> -> vector<512x256xf32>
    %add3A_734 = arith.addf %add3A_724, %dot_general3A_733 : vector<512x256xf32>
    %slice3A_735 = vector.extract_strided_slice %convert_element_type3A {offsets = [0, 704], sizes = [512, 64], strides = [1, 1]} : vector<512x1664xbf16> to vector<512x64xbf16>
    %slice3A_736 = vector.extract_strided_slice %convert_element_type3A {offsets = [0, 768], sizes = [512, 896], strides = [1, 1]} : vector<512x1664xbf16> to vector<512x896xbf16>
    %concatenate3A_737 = tpu.concatenate %slice3A_735, %slice3A_735, %slice3A_735, %slice3A_735, %slice3A_735, %slice3A_735, %slice3A_735, %slice3A_735, %slice3A_735, %slice3A_735, %slice3A_735, %slice3A_735, %slice3A_735, %slice3A_735 in 1 : vector<512x64xbf16>, vector<512x64xbf16>, vector<512x64xbf16>, vector<512x64xbf16>, vector<512x64xbf16>, vector<512x64xbf16>, vector<512x64xbf16>, vector<512x64xbf16>, vector<512x64xbf16>, vector<512x64xbf16>, vector<512x64xbf16>, vector<512x64xbf16>, vector<512x64xbf16>, vector<512x64xbf16> -> vector<512x896xbf16>
    %mul3A_738 = arith.mulf %concatenate3A_737, %slice3A_736 : vector<512x896xbf16>
    %get3A_739 = arith.constant 14080 : index
    %get3A_740 = arith.constant 0 : index
    %get3A_741 = vector.load %arg8[%get3A_739, %get3A_740] : memref<20800x256xbf16, #tpu.memory_space<vmem>>, vector<896x256xbf16>
    %dot_general3A_742 = arith.constant dense<0.000000e+00> : vector<512x256xf32>
    %dot_general3A_743 = tpu.matmul %mul3A_738, %get3A_741, %dot_general3A_742 {dimension_numbers = #tpu.dot_dimension_numbers<[1], [0], [0], [1], [0, 0, 1, 1], [], []>, transpose_lhs_hint = false} : vector<512x896xbf16>, vector<896x256xbf16>, vector<512x256xf32> -> vector<512x256xf32>
    %add3A_744 = arith.addf %add3A_734, %dot_general3A_743 : vector<512x256xf32>
    %slice3A_745 = vector.extract_strided_slice %convert_element_type3A {offsets = [0, 768], sizes = [512, 64], strides = [1, 1]} : vector<512x1664xbf16> to vector<512x64xbf16>
    %slice3A_746 = vector.extract_strided_slice %convert_element_type3A {offsets = [0, 832], sizes = [512, 832], strides = [1, 1]} : vector<512x1664xbf16> to vector<512x832xbf16>
    %concatenate3A_747 = tpu.concatenate %slice3A_745, %slice3A_745, %slice3A_745, %slice3A_745, %slice3A_745, %slice3A_745, %slice3A_745, %slice3A_745, %slice3A_745, %slice3A_745, %slice3A_745, %slice3A_745, %slice3A_745 in 1 : vector<512x64xbf16>, vector<512x64xbf16>, vector<512x64xbf16>, vector<512x64xbf16>, vector<512x64xbf16>, vector<512x64xbf16>, vector<512x64xbf16>, vector<512x64xbf16>, vector<512x64xbf16>, vector<512x64xbf16>, vector<512x64xbf16>, vector<512x64xbf16>, vector<512x64xbf16> -> vector<512x832xbf16>
    %mul3A_748 = arith.mulf %concatenate3A_747, %slice3A_746 : vector<512x832xbf16>
    %get3A_749 = arith.constant 14976 : index
    %get3A_750 = arith.constant 0 : index
    %get3A_751 = vector.load %arg8[%get3A_749, %get3A_750] : memref<20800x256xbf16, #tpu.memory_space<vmem>>, vector<832x256xbf16>
    %dot_general3A_752 = arith.constant dense<0.000000e+00> : vector<512x256xf32>
    %dot_general3A_753 = tpu.matmul %mul3A_748, %get3A_751, %dot_general3A_752 {dimension_numbers = #tpu.dot_dimension_numbers<[1], [0], [0], [1], [0, 0, 1, 1], [], []>, transpose_lhs_hint = false} : vector<512x832xbf16>, vector<832x256xbf16>, vector<512x256xf32> -> vector<512x256xf32>
    %add3A_754 = arith.addf %add3A_744, %dot_general3A_753 : vector<512x256xf32>
    %slice3A_755 = vector.extract_strided_slice %convert_element_type3A {offsets = [0, 832], sizes = [512, 64], strides = [1, 1]} : vector<512x1664xbf16> to vector<512x64xbf16>
    %slice3A_756 = vector.extract_strided_slice %convert_element_type3A {offsets = [0, 896], sizes = [512, 768], strides = [1, 1]} : vector<512x1664xbf16> to vector<512x768xbf16>
    %concatenate3A_757 = tpu.concatenate %slice3A_755, %slice3A_755, %slice3A_755, %slice3A_755, %slice3A_755, %slice3A_755, %slice3A_755, %slice3A_755, %slice3A_755, %slice3A_755, %slice3A_755, %slice3A_755 in 1 : vector<512x64xbf16>, vector<512x64xbf16>, vector<512x64xbf16>, vector<512x64xbf16>, vector<512x64xbf16>, vector<512x64xbf16>, vector<512x64xbf16>, vector<512x64xbf16>, vector<512x64xbf16>, vector<512x64xbf16>, vector<512x64xbf16>, vector<512x64xbf16> -> vector<512x768xbf16>
    %mul3A_758 = arith.mulf %concatenate3A_757, %slice3A_756 : vector<512x768xbf16>
    %get3A_759 = arith.constant 15808 : index
    %get3A_760 = arith.constant 0 : index
    %get3A_761 = vector.load %arg8[%get3A_759, %get3A_760] : memref<20800x256xbf16, #tpu.memory_space<vmem>>, vector<768x256xbf16>
    %dot_general3A_762 = arith.constant dense<0.000000e+00> : vector<512x256xf32>
    %dot_general3A_763 = tpu.matmul %mul3A_758, %get3A_761, %dot_general3A_762 {dimension_numbers = #tpu.dot_dimension_numbers<[1], [0], [0], [1], [0, 0, 1, 1], [], []>, transpose_lhs_hint = false} : vector<512x768xbf16>, vector<768x256xbf16>, vector<512x256xf32> -> vector<512x256xf32>
    %add3A_764 = arith.addf %add3A_754, %dot_general3A_763 : vector<512x256xf32>
    %slice3A_765 = vector.extract_strided_slice %convert_element_type3A {offsets = [0, 896], sizes = [512, 64], strides = [1, 1]} : vector<512x1664xbf16> to vector<512x64xbf16>
    %slice3A_766 = vector.extract_strided_slice %convert_element_type3A {offsets = [0, 960], sizes = [512, 704], strides = [1, 1]} : vector<512x1664xbf16> to vector<512x704xbf16>
    %concatenate3A_767 = tpu.concatenate %slice3A_765, %slice3A_765, %slice3A_765, %slice3A_765, %slice3A_765, %slice3A_765, %slice3A_765, %slice3A_765, %slice3A_765, %slice3A_765, %slice3A_765 in 1 : vector<512x64xbf16>, vector<512x64xbf16>, vector<512x64xbf16>, vector<512x64xbf16>, vector<512x64xbf16>, vector<512x64xbf16>, vector<512x64xbf16>, vector<512x64xbf16>, vector<512x64xbf16>, vector<512x64xbf16>, vector<512x64xbf16> -> vector<512x704xbf16>
    %mul3A_768 = arith.mulf %concatenate3A_767, %slice3A_766 : vector<512x704xbf16>
    %get3A_769 = arith.constant 16576 : index
    %get3A_770 = arith.constant 0 : index
    %get3A_771 = vector.load %arg8[%get3A_769, %get3A_770] : memref<20800x256xbf16, #tpu.memory_space<vmem>>, vector<704x256xbf16>
    %dot_general3A_772 = arith.constant dense<0.000000e+00> : vector<512x256xf32>
    %dot_general3A_773 = tpu.matmul %mul3A_768, %get3A_771, %dot_general3A_772 {dimension_numbers = #tpu.dot_dimension_numbers<[1], [0], [0], [1], [0, 0, 1, 1], [], []>, transpose_lhs_hint = false} : vector<512x704xbf16>, vector<704x256xbf16>, vector<512x256xf32> -> vector<512x256xf32>
    %add3A_774 = arith.addf %add3A_764, %dot_general3A_773 : vector<512x256xf32>
    %slice3A_775 = vector.extract_strided_slice %convert_element_type3A {offsets = [0, 960], sizes = [512, 64], strides = [1, 1]} : vector<512x1664xbf16> to vector<512x64xbf16>
    %slice3A_776 = vector.extract_strided_slice %convert_element_type3A {offsets = [0, 1024], sizes = [512, 640], strides = [1, 1]} : vector<512x1664xbf16> to vector<512x640xbf16>
    %concatenate3A_777 = tpu.concatenate %slice3A_775, %slice3A_775, %slice3A_775, %slice3A_775, %slice3A_775, %slice3A_775, %slice3A_775, %slice3A_775, %slice3A_775, %slice3A_775 in 1 : vector<512x64xbf16>, vector<512x64xbf16>, vector<512x64xbf16>, vector<512x64xbf16>, vector<512x64xbf16>, vector<512x64xbf16>, vector<512x64xbf16>, vector<512x64xbf16>, vector<512x64xbf16>, vector<512x64xbf16> -> vector<512x640xbf16>
    %mul3A_778 = arith.mulf %concatenate3A_777, %slice3A_776 : vector<512x640xbf16>
    %get3A_779 = arith.constant 17280 : index
    %get3A_780 = arith.constant 0 : index
    %get3A_781 = vector.load %arg8[%get3A_779, %get3A_780] : memref<20800x256xbf16, #tpu.memory_space<vmem>>, vector<640x256xbf16>
    %dot_general3A_782 = arith.constant dense<0.000000e+00> : vector<512x256xf32>
    %dot_general3A_783 = tpu.matmul %mul3A_778, %get3A_781, %dot_general3A_782 {dimension_numbers = #tpu.dot_dimension_numbers<[1], [0], [0], [1], [0, 0, 1, 1], [], []>, transpose_lhs_hint = false} : vector<512x640xbf16>, vector<640x256xbf16>, vector<512x256xf32> -> vector<512x256xf32>
    %add3A_784 = arith.addf %add3A_774, %dot_general3A_783 : vector<512x256xf32>
    %slice3A_785 = vector.extract_strided_slice %convert_element_type3A {offsets = [0, 1024], sizes = [512, 64], strides = [1, 1]} : vector<512x1664xbf16> to vector<512x64xbf16>
    %slice3A_786 = vector.extract_strided_slice %convert_element_type3A {offsets = [0, 1088], sizes = [512, 576], strides = [1, 1]} : vector<512x1664xbf16> to vector<512x576xbf16>
    %concatenate3A_787 = tpu.concatenate %slice3A_785, %slice3A_785, %slice3A_785, %slice3A_785, %slice3A_785, %slice3A_785, %slice3A_785, %slice3A_785, %slice3A_785 in 1 : vector<512x64xbf16>, vector<512x64xbf16>, vector<512x64xbf16>, vector<512x64xbf16>, vector<512x64xbf16>, vector<512x64xbf16>, vector<512x64xbf16>, vector<512x64xbf16>, vector<512x64xbf16> -> vector<512x576xbf16>
    %mul3A_788 = arith.mulf %concatenate3A_787, %slice3A_786 : vector<512x576xbf16>
    %get3A_789 = arith.constant 17920 : index
    %get3A_790 = arith.constant 0 : index
    %get3A_791 = vector.load %arg8[%get3A_789, %get3A_790] : memref<20800x256xbf16, #tpu.memory_space<vmem>>, vector<576x256xbf16>
    %dot_general3A_792 = arith.constant dense<0.000000e+00> : vector<512x256xf32>
    %dot_general3A_793 = tpu.matmul %mul3A_788, %get3A_791, %dot_general3A_792 {dimension_numbers = #tpu.dot_dimension_numbers<[1], [0], [0], [1], [0, 0, 1, 1], [], []>, transpose_lhs_hint = false} : vector<512x576xbf16>, vector<576x256xbf16>, vector<512x256xf32> -> vector<512x256xf32>
    %add3A_794 = arith.addf %add3A_784, %dot_general3A_793 : vector<512x256xf32>
    %slice3A_795 = vector.extract_strided_slice %convert_element_type3A {offsets = [0, 1088], sizes = [512, 64], strides = [1, 1]} : vector<512x1664xbf16> to vector<512x64xbf16>
    %slice3A_796 = vector.extract_strided_slice %convert_element_type3A {offsets = [0, 1152], sizes = [512, 512], strides = [1, 1]} : vector<512x1664xbf16> to vector<512x512xbf16>
    %concatenate3A_797 = tpu.concatenate %slice3A_795, %slice3A_795, %slice3A_795, %slice3A_795, %slice3A_795, %slice3A_795, %slice3A_795, %slice3A_795 in 1 : vector<512x64xbf16>, vector<512x64xbf16>, vector<512x64xbf16>, vector<512x64xbf16>, vector<512x64xbf16>, vector<512x64xbf16>, vector<512x64xbf16>, vector<512x64xbf16> -> vector<512x512xbf16>
    %mul3A_798 = arith.mulf %concatenate3A_797, %slice3A_796 : vector<512x512xbf16>
    %get3A_799 = arith.constant 18496 : index
    %get3A_800 = arith.constant 0 : index
    %get3A_801 = vector.load %arg8[%get3A_799, %get3A_800] : memref<20800x256xbf16, #tpu.memory_space<vmem>>, vector<512x256xbf16>
    %dot_general3A_802 = arith.constant dense<0.000000e+00> : vector<512x256xf32>
    %dot_general3A_803 = tpu.matmul %mul3A_798, %get3A_801, %dot_general3A_802 {dimension_numbers = #tpu.dot_dimension_numbers<[1], [0], [0], [1], [0, 0, 1, 1], [], []>, transpose_lhs_hint = false} : vector<512x512xbf16>, vector<512x256xbf16>, vector<512x256xf32> -> vector<512x256xf32>
    %add3A_804 = arith.addf %add3A_794, %dot_general3A_803 : vector<512x256xf32>
    %slice3A_805 = vector.extract_strided_slice %convert_element_type3A {offsets = [0, 1152], sizes = [512, 64], strides = [1, 1]} : vector<512x1664xbf16> to vector<512x64xbf16>
    %slice3A_806 = vector.extract_strided_slice %convert_element_type3A {offsets = [0, 1216], sizes = [512, 448], strides = [1, 1]} : vector<512x1664xbf16> to vector<512x448xbf16>
    %concatenate3A_807 = tpu.concatenate %slice3A_805, %slice3A_805, %slice3A_805, %slice3A_805, %slice3A_805, %slice3A_805, %slice3A_805 in 1 : vector<512x64xbf16>, vector<512x64xbf16>, vector<512x64xbf16>, vector<512x64xbf16>, vector<512x64xbf16>, vector<512x64xbf16>, vector<512x64xbf16> -> vector<512x448xbf16>
    %mul3A_808 = arith.mulf %concatenate3A_807, %slice3A_806 : vector<512x448xbf16>
    %get3A_809 = arith.constant 19008 : index
    %get3A_810 = arith.constant 0 : index
    %get3A_811 = vector.load %arg8[%get3A_809, %get3A_810] : memref<20800x256xbf16, #tpu.memory_space<vmem>>, vector<448x256xbf16>
    %dot_general3A_812 = arith.constant dense<0.000000e+00> : vector<512x256xf32>
    %dot_general3A_813 = tpu.matmul %mul3A_808, %get3A_811, %dot_general3A_812 {dimension_numbers = #tpu.dot_dimension_numbers<[1], [0], [0], [1], [0, 0, 1, 1], [], []>, transpose_lhs_hint = false} : vector<512x448xbf16>, vector<448x256xbf16>, vector<512x256xf32> -> vector<512x256xf32>
    %add3A_814 = arith.addf %add3A_804, %dot_general3A_813 : vector<512x256xf32>
    %slice3A_815 = vector.extract_strided_slice %convert_element_type3A {offsets = [0, 1216], sizes = [512, 64], strides = [1, 1]} : vector<512x1664xbf16> to vector<512x64xbf16>
    %slice3A_816 = vector.extract_strided_slice %convert_element_type3A {offsets = [0, 1280], sizes = [512, 384], strides = [1, 1]} : vector<512x1664xbf16> to vector<512x384xbf16>
    %concatenate3A_817 = tpu.concatenate %slice3A_815, %slice3A_815, %slice3A_815, %slice3A_815, %slice3A_815, %slice3A_815 in 1 : vector<512x64xbf16>, vector<512x64xbf16>, vector<512x64xbf16>, vector<512x64xbf16>, vector<512x64xbf16>, vector<512x64xbf16> -> vector<512x384xbf16>
    %mul3A_818 = arith.mulf %concatenate3A_817, %slice3A_816 : vector<512x384xbf16>
    %get3A_819 = arith.constant 19456 : index
    %get3A_820 = arith.constant 0 : index
    %get3A_821 = vector.load %arg8[%get3A_819, %get3A_820] : memref<20800x256xbf16, #tpu.memory_space<vmem>>, vector<384x256xbf16>
    %dot_general3A_822 = arith.constant dense<0.000000e+00> : vector<512x256xf32>
    %dot_general3A_823 = tpu.matmul %mul3A_818, %get3A_821, %dot_general3A_822 {dimension_numbers = #tpu.dot_dimension_numbers<[1], [0], [0], [1], [0, 0, 1, 1], [], []>, transpose_lhs_hint = false} : vector<512x384xbf16>, vector<384x256xbf16>, vector<512x256xf32> -> vector<512x256xf32>
    %add3A_824 = arith.addf %add3A_814, %dot_general3A_823 : vector<512x256xf32>
    %slice3A_825 = vector.extract_strided_slice %convert_element_type3A {offsets = [0, 1280], sizes = [512, 64], strides = [1, 1]} : vector<512x1664xbf16> to vector<512x64xbf16>
    %slice3A_826 = vector.extract_strided_slice %convert_element_type3A {offsets = [0, 1344], sizes = [512, 320], strides = [1, 1]} : vector<512x1664xbf16> to vector<512x320xbf16>
    %concatenate3A_827 = tpu.concatenate %slice3A_825, %slice3A_825, %slice3A_825, %slice3A_825, %slice3A_825 in 1 : vector<512x64xbf16>, vector<512x64xbf16>, vector<512x64xbf16>, vector<512x64xbf16>, vector<512x64xbf16> -> vector<512x320xbf16>
    %mul3A_828 = arith.mulf %concatenate3A_827, %slice3A_826 : vector<512x320xbf16>
    %get3A_829 = arith.constant 19840 : index
    %get3A_830 = arith.constant 0 : index
    %get3A_831 = vector.load %arg8[%get3A_829, %get3A_830] : memref<20800x256xbf16, #tpu.memory_space<vmem>>, vector<320x256xbf16>
    %dot_general3A_832 = arith.constant dense<0.000000e+00> : vector<512x256xf32>
    %dot_general3A_833 = tpu.matmul %mul3A_828, %get3A_831, %dot_general3A_832 {dimension_numbers = #tpu.dot_dimension_numbers<[1], [0], [0], [1], [0, 0, 1, 1], [], []>, transpose_lhs_hint = false} : vector<512x320xbf16>, vector<320x256xbf16>, vector<512x256xf32> -> vector<512x256xf32>
    %add3A_834 = arith.addf %add3A_824, %dot_general3A_833 : vector<512x256xf32>
    %slice3A_835 = vector.extract_strided_slice %convert_element_type3A {offsets = [0, 1344], sizes = [512, 64], strides = [1, 1]} : vector<512x1664xbf16> to vector<512x64xbf16>
    %slice3A_836 = vector.extract_strided_slice %convert_element_type3A {offsets = [0, 1408], sizes = [512, 256], strides = [1, 1]} : vector<512x1664xbf16> to vector<512x256xbf16>
    %concatenate3A_837 = tpu.concatenate %slice3A_835, %slice3A_835, %slice3A_835, %slice3A_835 in 1 : vector<512x64xbf16>, vector<512x64xbf16>, vector<512x64xbf16>, vector<512x64xbf16> -> vector<512x256xbf16>
    %mul3A_838 = arith.mulf %concatenate3A_837, %slice3A_836 : vector<512x256xbf16>
    %get3A_839 = arith.constant 20160 : index
    %get3A_840 = arith.constant 0 : index
    %get3A_841 = vector.load %arg8[%get3A_839, %get3A_840] : memref<20800x256xbf16, #tpu.memory_space<vmem>>, vector<256x256xbf16>
    %dot_general3A_842 = arith.constant dense<0.000000e+00> : vector<512x256xf32>
    %dot_general3A_843 = tpu.matmul %mul3A_838, %get3A_841, %dot_general3A_842 {dimension_numbers = #tpu.dot_dimension_numbers<[1], [0], [0], [1], [0, 0, 1, 1], [], []>, transpose_lhs_hint = false} : vector<512x256xbf16>, vector<256x256xbf16>, vector<512x256xf32> -> vector<512x256xf32>
    %add3A_844 = arith.addf %add3A_834, %dot_general3A_843 : vector<512x256xf32>
    %slice3A_845 = vector.extract_strided_slice %convert_element_type3A {offsets = [0, 1408], sizes = [512, 64], strides = [1, 1]} : vector<512x1664xbf16> to vector<512x64xbf16>
    %slice3A_846 = vector.extract_strided_slice %convert_element_type3A {offsets = [0, 1472], sizes = [512, 192], strides = [1, 1]} : vector<512x1664xbf16> to vector<512x192xbf16>
    %concatenate3A_847 = tpu.concatenate %slice3A_845, %slice3A_845, %slice3A_845 in 1 : vector<512x64xbf16>, vector<512x64xbf16>, vector<512x64xbf16> -> vector<512x192xbf16>
    %mul3A_848 = arith.mulf %concatenate3A_847, %slice3A_846 : vector<512x192xbf16>
    %get3A_849 = arith.constant 20416 : index
    %get3A_850 = arith.constant 0 : index
    %get3A_851 = vector.load %arg8[%get3A_849, %get3A_850] : memref<20800x256xbf16, #tpu.memory_space<vmem>>, vector<192x256xbf16>
    %dot_general3A_852 = arith.constant dense<0.000000e+00> : vector<512x256xf32>
    %dot_general3A_853 = tpu.matmul %mul3A_848, %get3A_851, %dot_general3A_852 {dimension_numbers = #tpu.dot_dimension_numbers<[1], [0], [0], [1], [0, 0, 1, 1], [], []>, transpose_lhs_hint = false} : vector<512x192xbf16>, vector<192x256xbf16>, vector<512x256xf32> -> vector<512x256xf32>
    %add3A_854 = arith.addf %add3A_844, %dot_general3A_853 : vector<512x256xf32>
    %slice3A_855 = vector.extract_strided_slice %convert_element_type3A {offsets = [0, 1472], sizes = [512, 64], strides = [1, 1]} : vector<512x1664xbf16> to vector<512x64xbf16>
    %slice3A_856 = vector.extract_strided_slice %convert_element_type3A {offsets = [0, 1536], sizes = [512, 128], strides = [1, 1]} : vector<512x1664xbf16> to vector<512x128xbf16>
    %concatenate3A_857 = tpu.concatenate %slice3A_855, %slice3A_855 in 1 : vector<512x64xbf16>, vector<512x64xbf16> -> vector<512x128xbf16>
    %mul3A_858 = arith.mulf %concatenate3A_857, %slice3A_856 : vector<512x128xbf16>
    %get3A_859 = arith.constant 20608 : index
    %get3A_860 = arith.constant 0 : index
    %get3A_861 = vector.load %arg8[%get3A_859, %get3A_860] : memref<20800x256xbf16, #tpu.memory_space<vmem>>, vector<128x256xbf16>
    %dot_general3A_862 = arith.constant dense<0.000000e+00> : vector<512x256xf32>
    %dot_general3A_863 = tpu.matmul %mul3A_858, %get3A_861, %dot_general3A_862 {dimension_numbers = #tpu.dot_dimension_numbers<[1], [0], [0], [1], [0, 0, 1, 1], [], []>, transpose_lhs_hint = false} : vector<512x128xbf16>, vector<128x256xbf16>, vector<512x256xf32> -> vector<512x256xf32>
    %add3A_864 = arith.addf %add3A_854, %dot_general3A_863 : vector<512x256xf32>
    %slice3A_865 = vector.extract_strided_slice %convert_element_type3A {offsets = [0, 1536], sizes = [512, 64], strides = [1, 1]} : vector<512x1664xbf16> to vector<512x64xbf16>
    %slice3A_866 = vector.extract_strided_slice %convert_element_type3A {offsets = [0, 1600], sizes = [512, 64], strides = [1, 1]} : vector<512x1664xbf16> to vector<512x64xbf16>
    %mul3A_867 = arith.mulf %slice3A_865, %slice3A_866 : vector<512x64xbf16>
    %get3A_868 = arith.constant 20736 : index
    %get3A_869 = arith.constant 0 : index
    %get3A_870 = vector.load %arg8[%get3A_868, %get3A_869] : memref<20800x256xbf16, #tpu.memory_space<vmem>>, vector<64x256xbf16>
    %dot_general3A_871 = arith.constant dense<0.000000e+00> : vector<512x256xf32>
    %dot_general3A_872 = tpu.matmul %mul3A_867, %get3A_870, %dot_general3A_871 {dimension_numbers = #tpu.dot_dimension_numbers<[1], [0], [0], [1], [0, 0, 1, 1], [], []>, transpose_lhs_hint = false} : vector<512x64xbf16>, vector<64x256xbf16>, vector<512x256xf32> -> vector<512x256xf32>
    %add3A_873 = arith.addf %add3A_864, %dot_general3A_872 : vector<512x256xf32>
    %get3A_874 = arith.constant 0 : index
    %get3A_875 = arith.constant 0 : index
    %get3A_876 = vector.load %arg9[%get3A_874, %get3A_875] : memref<1x256xf32, #tpu.memory_space<vmem>>, vector<1x256xf32>
    %add3A_877 = vector.broadcast %get3A_876 : vector<1x256xf32> to vector<512x256xf32>
    %add3A_878 = arith.addf %add3A_873, %add3A_877 : vector<512x256xf32>
    %max3A = arith.constant 0.000000e+00 : f32
    %max3A_879 = vector.broadcast %max3A : f32 to vector<512x256xf32>
    %max3A_880 = arith.maximumf %add3A_878, %max3A_879 : vector<512x256xf32>
    %get3A_881 = arith.constant 0 : index
    %get3A_882 = arith.constant 0 : index
    %get3A_883 = vector.load %arg10[%get3A_881, %get3A_882] : memref<256x256xf32, #tpu.memory_space<vmem>>, vector<256x256xf32>
    %dot_general3A_884 = arith.constant dense<0.000000e+00> : vector<512x256xf32>
    %dot_general3A_885 = tpu.matmul %max3A_880, %get3A_883, %dot_general3A_884 {dimension_numbers = #tpu.dot_dimension_numbers<[1], [0], [0], [1], [0, 0, 1, 1], [], []>, transpose_lhs_hint = false} : vector<512x256xf32>, vector<256x256xf32>, vector<512x256xf32> -> vector<512x256xf32>
    %get3A_886 = arith.constant 0 : index
    %get3A_887 = arith.constant 0 : index
    %get3A_888 = vector.load %arg11[%get3A_886, %get3A_887] : memref<1x256xf32, #tpu.memory_space<vmem>>, vector<1x256xf32>
    %add3A_889 = vector.broadcast %get3A_888 : vector<1x256xf32> to vector<512x256xf32>
    %add3A_890 = arith.addf %dot_general3A_885, %add3A_889 : vector<512x256xf32>
    %max3A_891 = arith.constant 0.000000e+00 : f32
    %max3A_892 = vector.broadcast %max3A_891 : f32 to vector<512x256xf32>
    %max3A_893 = arith.maximumf %add3A_890, %max3A_892 : vector<512x256xf32>
    %get3A_894 = arith.constant 0 : index
    %get3A_895 = arith.constant 0 : index
    %get3A_896 = vector.load %arg12[%get3A_894, %get3A_895] : memref<256x256xf32, #tpu.memory_space<vmem>>, vector<256x256xf32>
    %dot_general3A_897 = arith.constant dense<0.000000e+00> : vector<512x256xf32>
    %dot_general3A_898 = tpu.matmul %max3A_893, %get3A_896, %dot_general3A_897 {dimension_numbers = #tpu.dot_dimension_numbers<[1], [0], [0], [1], [0, 0, 1, 1], [], []>, transpose_lhs_hint = false} : vector<512x256xf32>, vector<256x256xf32>, vector<512x256xf32> -> vector<512x256xf32>
    %get3A_899 = arith.constant 0 : index
    %get3A_900 = arith.constant 0 : index
    %get3A_901 = vector.load %arg13[%get3A_899, %get3A_900] : memref<1x256xf32, #tpu.memory_space<vmem>>, vector<1x256xf32>
    %add3A_902 = vector.broadcast %get3A_901 : vector<1x256xf32> to vector<512x256xf32>
    %add3A_903 = arith.addf %dot_general3A_898, %add3A_902 : vector<512x256xf32>
    %max3A_904 = arith.constant 0.000000e+00 : f32
    %max3A_905 = vector.broadcast %max3A_904 : f32 to vector<512x256xf32>
    %max3A_906 = arith.maximumf %add3A_903, %max3A_905 : vector<512x256xf32>
    %get3A_907 = arith.constant 0 : index
    %get3A_908 = arith.constant 0 : index
    %get3A_909 = vector.load %arg14[%get3A_907, %get3A_908] : memref<256x1xf32, #tpu.memory_space<vmem>>, vector<256x1xf32>
    %dot_general3A_910 = arith.constant dense<0.000000e+00> : vector<512x1xf32>
    %dot_general3A_911 = tpu.matmul %max3A_906, %get3A_909, %dot_general3A_910 {dimension_numbers = #tpu.dot_dimension_numbers<[1], [0], [0], [1], [0, 0, 1, 1], [], []>, transpose_lhs_hint = false} : vector<512x256xf32>, vector<256x1xf32>, vector<512x1xf32> -> vector<512x1xf32>
    %get3A_912 = arith.constant 0 : index
    %get3A_913 = arith.constant 0 : index
    %get3A_914 = vector.load %arg15[%get3A_912, %get3A_913] : memref<1x1xf32, #tpu.memory_space<vmem>>, vector<1x1xf32>
    %add3A_915 = vector.broadcast %get3A_914 : vector<1x1xf32> to vector<512x1xf32>
    %add3A_916 = arith.addf %dot_general3A_911, %add3A_915 : vector<512x1xf32>
    %get3A_917 = arith.constant 0 : index
    %get3A_918 = arith.constant 0 : index
    %get3A_919 = vector.load %arg4[%get3A_917, %get3A_918] : memref<512x26xf32, #tpu.memory_space<vmem>>, vector<512x26xf32>
    %reduce_sum3A = arith.constant dense<0.000000e+00> : vector<512xf32>
    %reduce_sum3A_920 = vector.multi_reduction <add>, %get3A_919, %reduce_sum3A [1] : vector<512x26xf32> to vector<512xf32>
    %broadcast_in_dim3A_921 = vector.shape_cast %reduce_sum3A_920 : vector<512xf32> to vector<512x1xf32>
    %get3A_922 = arith.constant 0 : index
    %get3A_923 = arith.constant 0 : index
    %get3A_924 = vector.load %arg5[%get3A_922, %get3A_923] : memref<512x13xf32, #tpu.memory_space<vmem>>, vector<512x13xf32>
    %get3A_925 = arith.constant 0 : index
    %get3A_926 = arith.constant 0 : index
    %get3A_927 = vector.load %arg6[%get3A_925, %get3A_926] : memref<1x13xf32, #tpu.memory_space<vmem>>, vector<1x13xf32>
    %mul3A_928 = vector.broadcast %get3A_927 : vector<1x13xf32> to vector<512x13xf32>
    %mul3A_929 = arith.mulf %get3A_924, %mul3A_928 : vector<512x13xf32>
    %reduce_sum3A_930 = arith.constant dense<0.000000e+00> : vector<512xf32>
    %reduce_sum3A_931 = vector.multi_reduction <add>, %mul3A_929, %reduce_sum3A_930 [1] : vector<512x13xf32> to vector<512xf32>
    %broadcast_in_dim3A_932 = vector.shape_cast %reduce_sum3A_931 : vector<512xf32> to vector<512x1xf32>
    %add3A_933 = arith.addf %broadcast_in_dim3A_921, %broadcast_in_dim3A_932 : vector<512x1xf32>
    %get3A_934 = arith.constant 0 : index
    %get3A_935 = arith.constant 0 : index
    %get3A_936 = vector.load %arg7[%get3A_934, %get3A_935] : memref<1x1xf32, #tpu.memory_space<vmem>>, vector<1x1xf32>
    %add3A_937 = vector.broadcast %get3A_936 : vector<1x1xf32> to vector<512x1xf32>
    %add3A_938 = arith.addf %add3A_933, %add3A_937 : vector<512x1xf32>
    %add3A_939 = arith.addf %add3A_938, %add3A_916 : vector<512x1xf32>
    %get3A_940 = arith.constant 0 : index
    %get3A_941 = arith.constant 0 : index
    %get3A_942 = vector.load %arg16[%get3A_940, %get3A_941] : memref<1x1xf32, #tpu.memory_space<vmem>>, vector<1x1xf32>
    %mul3A_943 = vector.broadcast %get3A_942 : vector<1x1xf32> to vector<512x1xf32>
    %mul3A_944 = arith.mulf %add3A_939, %mul3A_943 : vector<512x1xf32>
    %get3A_945 = arith.constant 0 : index
    %get3A_946 = arith.constant 0 : index
    %get3A_947 = vector.load %arg17[%get3A_945, %get3A_946] : memref<1x1xf32, #tpu.memory_space<vmem>>, vector<1x1xf32>
    %add3A_948 = vector.broadcast %get3A_947 : vector<1x1xf32> to vector<512x1xf32>
    %add3A_949 = arith.addf %mul3A_944, %add3A_948 : vector<512x1xf32>
    %logistic3A = arith.negf %add3A_949 : vector<512x1xf32>
    %logistic3A_950 = math.exp %logistic3A : vector<512x1xf32>
    %logistic3A_951 = arith.constant 1.000000e+00 : f32
    %logistic3A_952 = vector.broadcast %logistic3A_951 : f32 to vector<512x1xf32>
    %logistic3A_953 = arith.addf %logistic3A_952, %logistic3A_950 : vector<512x1xf32>
    %logistic3A_954 = arith.divf %logistic3A_952, %logistic3A_953 : vector<512x1xf32>
    %swap3A = arith.constant 0 : index
    %swap3A_955 = arith.constant 0 : index
    %swap3A_956 = vector.load %arg20[%swap3A, %swap3A_955] : memref<512x1xf32, #tpu.memory_space<vmem>>, vector<512x1xf32>
    tpu.vector_store %arg20[%swap3A, %swap3A_955], %logistic3A_954 {strides = array<i32>} : memref<512x1xf32, #tpu.memory_space<vmem>>, vector<512x1xf32>,
    %get3A_957 = arith.constant 0 : index
    %get3A_958 = arith.constant 0 : index
    %get3A_959 = vector.load %arg18[%get3A_957, %get3A_958] : memref<1x1xf32, #tpu.memory_space<vmem>>, vector<1x1xf32>
    %mul3A_960 = vector.broadcast %get3A_959 : vector<1x1xf32> to vector<512x1xf32>
    %mul3A_961 = arith.mulf %add3A_939, %mul3A_960 : vector<512x1xf32>
    %get3A_962 = arith.constant 0 : index
    %get3A_963 = arith.constant 0 : index
    %get3A_964 = vector.load %arg19[%get3A_962, %get3A_963] : memref<1x1xf32, #tpu.memory_space<vmem>>, vector<1x1xf32>
    %add3A_965 = vector.broadcast %get3A_964 : vector<1x1xf32> to vector<512x1xf32>
    %add3A_966 = arith.addf %mul3A_961, %add3A_965 : vector<512x1xf32>
    %logistic3A_967 = arith.negf %add3A_966 : vector<512x1xf32>
    %logistic3A_968 = math.exp %logistic3A_967 : vector<512x1xf32>
    %logistic3A_969 = arith.constant 1.000000e+00 : f32
    %logistic3A_970 = vector.broadcast %logistic3A_969 : f32 to vector<512x1xf32>
    %logistic3A_971 = arith.addf %logistic3A_970, %logistic3A_968 : vector<512x1xf32>
    %logistic3A_972 = arith.divf %logistic3A_970, %logistic3A_971 : vector<512x1xf32>
    %swap3A_973 = arith.constant 0 : index
    %swap3A_974 = arith.constant 0 : index
    %swap3A_975 = vector.load %arg21[%swap3A_973, %swap3A_974] : memref<512x1xf32, #tpu.memory_space<vmem>>, vector<512x1xf32>
    tpu.vector_store %arg21[%swap3A_973, %swap3A_974], %logistic3A_972 {strides = array<i32>} : memref<512x1xf32, #tpu.memory_space<vmem>>, vector<512x1xf32>,
    return
  }
  func.func @transform_0(%arg0: i32) -> (i32, i32) {
    %c0_i32 = arith.constant 0 : i32
    %c0_i32_0 = arith.constant 0 : i32
    return %arg0, %c0_i32 : i32, i32
  }
  func.func @transform_1(%arg0: i32) -> (i32, i32) {
    %c0_i32 = arith.constant 0 : i32
    %c0_i32_0 = arith.constant 0 : i32
    return %arg0, %c0_i32 : i32, i32
  }
  func.func @transform_2(%arg0: i32) -> (i32, i32) {
    %c0_i32 = arith.constant 0 : i32
    %c0_i32_0 = arith.constant 0 : i32
    return %arg0, %c0_i32 : i32, i32
  }
  func.func @transform_3(%arg0: i32) -> (i32, i32) {
    %c0_i32 = arith.constant 0 : i32
    %c0_i32_0 = arith.constant 0 : i32
    return %arg0, %c0_i32 : i32, i32
  }
  func.func @transform_4(%arg0: i32) -> (i32, i32) {
    %c0_i32 = arith.constant 0 : i32
    %c0_i32_0 = arith.constant 0 : i32
    return %arg0, %c0_i32 : i32, i32
  }
  func.func @transform_5(%arg0: i32) -> (i32, i32) {
    %c0_i32 = arith.constant 0 : i32
    %c0_i32_0 = arith.constant 0 : i32
    %c0_i32_1 = arith.constant 0 : i32
    return %c0_i32, %c0_i32_0 : i32, i32
  }
  func.func @transform_6(%arg0: i32) -> (i32, i32) {
    %c0_i32 = arith.constant 0 : i32
    %c0_i32_0 = arith.constant 0 : i32
    %c0_i32_1 = arith.constant 0 : i32
    return %c0_i32, %c0_i32_0 : i32, i32
  }
  func.func @transform_7(%arg0: i32) -> (i32, i32) {
    %c0_i32 = arith.constant 0 : i32
    %c0_i32_0 = arith.constant 0 : i32
    %c0_i32_1 = arith.constant 0 : i32
    return %c0_i32, %c0_i32_0 : i32, i32
  }
  func.func @transform_8(%arg0: i32) -> (i32, i32) {
    %c0_i32 = arith.constant 0 : i32
    %c0_i32_0 = arith.constant 0 : i32
    %c0_i32_1 = arith.constant 0 : i32
    return %c0_i32, %c0_i32_0 : i32, i32
  }
  func.func @transform_9(%arg0: i32) -> (i32, i32) {
    %c0_i32 = arith.constant 0 : i32
    %c0_i32_0 = arith.constant 0 : i32
    %c0_i32_1 = arith.constant 0 : i32
    return %c0_i32, %c0_i32_0 : i32, i32
  }
  func.func @transform_10(%arg0: i32) -> (i32, i32) {
    %c0_i32 = arith.constant 0 : i32
    %c0_i32_0 = arith.constant 0 : i32
    %c0_i32_1 = arith.constant 0 : i32
    return %c0_i32, %c0_i32_0 : i32, i32
  }
  func.func @transform_11(%arg0: i32) -> (i32, i32) {
    %c0_i32 = arith.constant 0 : i32
    %c0_i32_0 = arith.constant 0 : i32
    %c0_i32_1 = arith.constant 0 : i32
    return %c0_i32, %c0_i32_0 : i32, i32
  }
  func.func @transform_12(%arg0: i32) -> (i32, i32) {
    %c0_i32 = arith.constant 0 : i32
    %c0_i32_0 = arith.constant 0 : i32
    %c0_i32_1 = arith.constant 0 : i32
    return %c0_i32, %c0_i32_0 : i32, i32
  }
  func.func @transform_13(%arg0: i32) -> (i32, i32) {
    %c0_i32 = arith.constant 0 : i32
    %c0_i32_0 = arith.constant 0 : i32
    %c0_i32_1 = arith.constant 0 : i32
    return %c0_i32, %c0_i32_0 : i32, i32
  }
  func.func @transform_14(%arg0: i32) -> (i32, i32) {
    %c0_i32 = arith.constant 0 : i32
    %c0_i32_0 = arith.constant 0 : i32
    %c0_i32_1 = arith.constant 0 : i32
    return %c0_i32, %c0_i32_0 : i32, i32
  }
  func.func @transform_15(%arg0: i32) -> (i32, i32) {
    %c0_i32 = arith.constant 0 : i32
    %c0_i32_0 = arith.constant 0 : i32
    %c0_i32_1 = arith.constant 0 : i32
    return %c0_i32, %c0_i32_0 : i32, i32
  }
  func.func @transform_16(%arg0: i32) -> (i32, i32) {
    %c0_i32 = arith.constant 0 : i32
    %c0_i32_0 = arith.constant 0 : i32
    %c0_i32_1 = arith.constant 0 : i32
    return %c0_i32, %c0_i32_0 : i32, i32
  }
  func.func @transform_17(%arg0: i32) -> (i32, i32) {
    %c0_i32 = arith.constant 0 : i32
    %c0_i32_0 = arith.constant 0 : i32
    %c0_i32_1 = arith.constant 0 : i32
    return %c0_i32, %c0_i32_0 : i32, i32
  }
  func.func @transform_18(%arg0: i32) -> (i32, i32) {
    %c0_i32 = arith.constant 0 : i32
    %c0_i32_0 = arith.constant 0 : i32
    %c0_i32_1 = arith.constant 0 : i32
    return %c0_i32, %c0_i32_0 : i32, i32
  }
  func.func @transform_19(%arg0: i32) -> (i32, i32) {
    %c0_i32 = arith.constant 0 : i32
    %c0_i32_0 = arith.constant 0 : i32
    return %arg0, %c0_i32 : i32, i32
  }
  func.func @transform_20(%arg0: i32) -> (i32, i32) {
    %c0_i32 = arith.constant 0 : i32
    %c0_i32_0 = arith.constant 0 : i32
    return %arg0, %c0_i32 : i32, i32
  }
}

</mosaic_0001>

<sc_bundles>
// kernel: kernel.6.cloned.1.call-start
scs
__scs_entry_jumppad:
0x0: {  	(pc) =	sbr.rel $0x88, $3  }
0x1: {  	(tag) =	ssettag $0x0;
	lr =	simm.s32 $0x1  }
0x2: {  	[smem:$0x3F8F] =	sst lr;
	_ =	strace $0xD0000000  }
0x3: {  	_ = 	snop  }
0x4: {  	_ = 	snop  }
0x5: {  	_ = 	snop  }
0x6: {  	_ = 	snop  }
0x7: {  	_ = 	snop  }
__scs_overlays_trampoline_lowered:
0x8: {  	[smem:$0x3F9E] =	sst s0  }
0x9: {  	[smem:$0x3F9F] =	sst s1  }
0xa: {  	[smem:$0x3FA0] =	sst s2  }
0xb: {  	[smem:$0x3FA1] =	sst s3  }
0xc: {  	[smem:$0x3FA2] =	sst s4  }
0xd: {  	[smem:$0x3FA3] =	sst s5  }
0xe: {  	[smem:$0x3FA4] =	sst s6  }
0xf: {  	[smem:$0x3FA5] =	sst s7  }
0x10: {  	[smem:$0x3FA6] =	sst s8  }
0x11: {  	[smem:$0x3FA7] =	sst s9;
	s0 =	simm.s32 @!p0 $0x0  }
0x12: {  	s1 =	sld [smem:$0x3F8D];
	s0 =	simm.s32 @p0 $0x1  }
0x13: {  	[smem:$0x3FA8] =	sst s0;
	s0 =	simm.s32 @!p1 $0x0  }
0x14: {  	s2 =	sld [smem:$0x3F8C];
	s0 =	simm.s32 @p1 $0x1  }
0x15: {  	[smem:$0x3FA9] =	sst s0;
	s0 =	simm.s32 @!p2 $0x0  }
0x16: {  	s3 =	sld [smem:$0x3FDB];
	s0 =	simm.s32 @p2 $0x1  }
0x17: {  	s4 =	simm.s32 $0x1BF5;
	[smem:$0x3FAB] =	sst s0  }
0x18: {  	s0 =	sld [smem:$0x3F8E];
	_ =	swait.ge [sflag:s4], $0x0  }
0x19: {  	s7 =	sld [smem:$0x3F8F]  }
0x1a: {  	s8 =	sadd.s32 $0xFFFFE003, lr  }
0x1b: {  	s9 =	sadd.s32 $0xFFFFFEF7, lr;
	s5 =	simm.s32 $0xFFFFFFFF;
	p2 =	slt.u32 s8, $0xFFFFF086  }
0x1c: {  	p1 =	slt.u32 s9, $0xF7A;
	s5 =	simm.s32 @!p2 $0x0  }
0x1d: {  	s5 =	simm.s32 @p1 $0x1;
	p0 =	seq.s32 s7, s2  }
0x1e: {  	s7 =	smul.u32 @!p0 $0xF7A, s2;
	p2 =	seq.s32 @!p0 s5, $0x0  }
0x1f: {  	s9 =	smul.u32 $0xF7A, s1;
	s8 =	simm.s32 @!p0 $0x1BF5;
	p2 =	por !p2, p0  }
0x20: {  	[sflag:s8] =	ssyncset.s32 @!p0 $0xFFFFF086;
	s6 =	sadd.s32 @!p0 s3, s7;
	s7 =	simm.s32 @!p0 $0x108  }
0x21: {  	s3 =	sadd.s32 s3, s9;
	s6 =	sadd.s32 @!p0 $0x88, s6;
	s7 =	simm.s32 @p2 $0x1082  }
0x22: {  	[simem:s7], [sflag:s8] =	dma.local @!p0 [hbm:s6], $0xF7A  }
0x23: {  	s9 =	sor.u32 $0xD0000000, s2;
	s6 =	simm.s32 $0x108;
	_ =	swait.ge @!p0 [sflag:s8], $0x0  }
0x24: {  	s3 =	sadd.s32 $0x88, s3;
	s6 =	simm.s32 @!p1 $0x1082;
	[sflag:s4] =	ssyncset.s32 $0xFFFFF086  }
0x25: {  	[simem:s6], [sflag:s4] =	dma.local [hbm:s3], $0xF7A  }
0x26: {  	[smem:$0x3F8F] =	sst s1;
	(tag) =	ssettag s2;
	_ =	strace s9  }
0x27: {  	s1 =	sld [smem:$0x3F9F]  }
0x28: {  	s2 =	sld [smem:$0x3FA0]  }
0x29: {  	s4 =	sld [smem:$0x3FA2]  }
0x2a: {  	p0 =	seq.s32 s5, $0x0;
	s5 =	sld [smem:$0x3FA3]  }
0x2b: {  	s6 =	sld [smem:$0x3FA4]  }
0x2c: {  	s7 =	sld [smem:$0x3FA5]  }
0x2d: {  	s3 =	simm.s32 $0x108;
	s8 =	sld [smem:$0x3FA6]  }
0x2e: {  	s3 =	simm.s32 @!p0 $0x1082;
	s9 =	sld [smem:$0x3FA7]  }
0x2f: {  	lr =	sadd.s32 s0, s3;
	s0 =	sld [smem:$0x3F9E]  }
0x30: {  	s3 =	sld [smem:$0x3FA1]  }
0x31: {  	[smem:$0x3FAA] =	sst s10  }
0x32: {  	s10 =	sld [smem:$0x3FA8];
	_ =	sdelay $0x3  }
0x33: {  	p0 =	seq.s32 s10, $0x1;
	s10 =	sld [smem:$0x3FAA];
	_ =	sdelay $0x3  }
0x34: {  	[smem:$0x3FAA] =	sst s10  }
0x35: {  	s10 =	sld [smem:$0x3FA9];
	_ =	sdelay $0x3  }
0x36: {  	p1 =	seq.s32 s10, $0x1;
	s10 =	sld [smem:$0x3FAA];
	_ =	sdelay $0x3  }
0x37: {  	[smem:$0x3FAA] =	sst s10  }
0x38: {  	s10 =	sld [smem:$0x3FAB]  }
0x39: {  	_ = 	snop;
	(pc) =	sbr.ind lr, $3  }
0x3a: {  	_ = 	snop  }
0x3b: {  	_ = 	snop  }
0x3c: {  	p2 =	seq.s32 s10, $0x1;
	s10 =	sld [smem:$0x3FAA]  }
0x3d: {  	_ =	shalt  }
0x3e: {  	_ =	shalt  }
0x3f: {  	_ =	shalt  }
0x40: {  	_ =	shalt  }
0x41: {  	_ =	shalt  }
0x42: {  	_ =	shalt  }
0x43: {  	_ =	shalt  }
0x44: {  	_ =	shalt  }
0x45: {  	_ =	shalt  }
0x46: {  	_ =	shalt  }
0x47: {  	_ =	shalt  }
0x48: {  	_ =	shalt  }
0x49: {  	_ =	shalt  }
0x4a: {  	_ =	shalt  }
0x4b: {  	_ =	shalt  }
0x4c: {  	_ =	shalt  }
0x4d: {  	_ =	shalt  }
0x4e: {  	_ =	shalt  }
0x4f: {  	_ =	shalt  }
0x50: {  	_ =	shalt  }
0x51: {  	_ =	shalt  }
0x52: {  	_ =	shalt  }
0x53: {  	_ =	shalt  }
0x54: {  	_ =	shalt  }
0x55: {  	_ =	shalt  }
0x56: {  	_ =	shalt  }
0x57: {  	_ =	shalt  }
0x58: {  	_ =	shalt  }
0x59: {  	_ =	shalt  }
0x5a: {  	_ =	shalt  }
0x5b: {  	_ =	shalt  }
0x5c: {  	_ =	shalt  }
0x5d: {  	_ =	shalt  }
0x5e: {  	_ =	shalt  }
0x5f: {  	_ =	shalt  }
0x60: {  	_ =	shalt  }
0x61: {  	_ =	shalt  }
0x62: {  	_ =	shalt  }
0x63: {  	_ =	shalt  }
0x64: {  	_ =	shalt  }
0x65: {  	_ =	shalt  }
0x66: {  	_ =	shalt  }
0x67: {  	_ =	shalt  }
0x68: {  	_ =	shalt  }
0x69: {  	_ =	shalt  }
0x6a: {  	_ =	shalt  }
0x6b: {  	_ =	shalt  }
0x6c: {  	_ =	shalt  }
0x6d: {  	_ =	shalt  }
0x6e: {  	_ =	shalt  }
0x6f: {  	_ =	shalt  }
0x70: {  	_ =	shalt  }
0x71: {  	_ =	shalt  }
0x72: {  	_ =	shalt  }
0x73: {  	_ =	shalt  }
0x74: {  	_ =	shalt  }
0x75: {  	_ =	shalt  }
0x76: {  	_ =	shalt  }
0x77: {  	_ =	shalt  }
0x78: {  	_ =	shalt  }
0x79: {  	_ =	shalt  }
0x7a: {  	_ =	shalt  }
0x7b: {  	_ =	shalt  }
0x7c: {  	_ =	shalt  }
0x7d: {  	_ =	shalt  }
0x7e: {  	_ =	shalt  }
0x7f: {  	_ =	shalt  }
0x80: {  	_ =	shalt  }
0x81: {  	_ =	shalt  }
0x82: {  	_ =	shalt  }
0x83: {  	_ =	shalt  }
0x84: {  	_ =	shalt  }
0x85: {  	_ =	shalt  }
0x86: {  	_ =	shalt  }
0x87: {  	_ =	shalt  }
.Lfunc_end0:
.L_simem_size_0:
called_computation_lowered:
.L_overlay_start_0:
0x88: {  	s2 =	sld [smem:$0x3FD9]  }
0x89: {  	s3 =	sld [smem:$0x3FFE];
	_ =	sdelay $0x1  }
0x8a: {  	s1 =	srdreg.scid  }
0x8b: {  	s0 =	sand.u32 $0x1, s1  }
0x8c: {  	s17 =	sshll.u32 s0, $0xA;
	s2 =	sadd.s32 s3, s2  }
0x8d: {  	s2 =	sadd.s32 s2, s17  }
0x8e: {  	[smem:$0x3FB6] =	sst s2  }
0x8f: {  	_ = 	snop  }
0x90: {  	(tm) =	ssettm $0x1  }
0x91: {  	s18 =	sld [smem:$0x3FFB];
	_ =	sdelay $0x3  }
0x92: {  	_ =	strace s18  }
0x93: {  	s2 =	sld [smem:$0x3FFC];
	_ =	sdelay $0x3  }
0x94: {  	_ =	strace s2  }
0x95: {  	s2 =	sld [smem:$0x3FFD];
	_ =	sdelay $0x3  }
0x96: {  	_ =	strace s2  }
0x97: {  	_ =	strace $0x8FFFFFFF  }
0x98: {  	s19 =	sld [smem:$0x3FDB];
	_ =	sdelay $0x1  }
0x99: {  	s20 =	simm.s32 $_scs_section_size  }
0x9a: {  	s4 =	simm.s32 $_size__tile_overlayer_lowered;
	s5 =	simm.s32 $_tile_overlayer_lowered  }
0x9b: {  	s6 =	simm.s32 $0x1BFF;
	s21 =	sshll.u32 s5, $0x1;
	s3 =	sadd.s32 s20, s19  }
0x9c: {  	s22 =	simm.s32 $0x0;
	s4 =	sshll.u32 s4, $0x1;
	s5 =	sadd.s32 s21, s3  }
0x9d: {  	[timem:s22], [sflag:s6] =	dma.local [hbm:s5], s4  }
0x9e: {  	_ =	swait.ge [sflag:s6], s4  }
0x9f: {  	s4 =	ssub.s32 $0x0, s4;
	[sflag:s6] =	ssyncset.done $0x0  }
0xa0: {  	[sflag:s6] =	ssyncadd.s32 s4;
	_ =	sdelay $0x1  }
0xa1: {  	s23 =	simm.s32 $0x1B8B  }
0xa2: {  	_ =	swait.ge [sflag:s23], $0x1  }
0xa3: {  	[sflag:s23] =	ssyncset.done $0x0  }
0xa4: {  	[sflag:s23] =	ssyncadd.s32 $0xFFFFFFFF  }
0xa5: {  	s4 =	sld [smem:$0x0]  }
0xa6: {  	s5 =	sand.u32 $0xFFFFFFFE, s1  }
0xa7: {  	p0 =	sne.s32 s1, s5  }
0xa8: {  	s5 =	sshll.u32 @p0 s5, $0xE  }
0xa9: {  	s5 =	sadd.s32 @p0 $0x11B8D, s5;
	s6 =	sshll.u32 @p0 s4, $0x11  }
0xaa: {  	s5 =	sor.u32 @p0 s6, s5  }
0xab: {  	[sflag:s5] =	ssyncadd.remote.s32 @p0 $0x1;
	_ =	sdelay $0x1  }
0xac: {  	s5 =	simm.s32 @p0 $0x1B8D  }
0xad: {  	_ =	swait.eq @p0 [sflag:s5], $0x1  }
0xae: {  	[sflag:s5] =	ssyncadd.s32 @p0 $0xFFFFFFFF  }
0xaf: {  	s6 =	sshll.u32 @!p0 s1, $0xE  }
0xb0: {  	s6 =	sor.u32 @!p0 $0x4000, s6;
	s5 =	simm.s32 @!p0 $0x1B8D  }
0xb1: {  	s4 =	sshll.u32 @!p0 s4, $0x11;
	s6 =	sadd.s32 @!p0 $0x11B8D, s6;
	_ =	swait.eq @!p0 [sflag:s5], $0x1  }
0xb2: {  	s4 =	sor.u32 @!p0 s4, s6;
	[sflag:s5] =	ssyncadd.s32 @!p0 $0xFFFFFFFF  }
0xb3: {  	s25 =	simm.s32 $0x1B8E;
	s24 =	sld [smem:$0x3FFE];
	[sflag:s4] =	ssyncadd.remote.s32 @!p0 $0x1  }
0xb4: {  	s26 =	simm.s32 $execute0_lowered;
	[smem:$0x3FD2] =	sst s25  }
0xb5: {  	s5 =	sshll.u32 s26, $0x1;
	_ =	strace $0x80000049;
	[dreg:$0x1] =	wrdreg $0xFFFFFFFF  }
0xb6: {  	s28 =	simm.s32 $_size_execute0_lowered;
	s3 =	sadd.s32 s3, s5;
	[dreg:$0x0] =	wrdreg $0x0  }
0xb7: {  	s5 =	sshll.u32 s28, $0x1;
	[dreg:$0x2] =	wrdreg s3  }
0xb8: {  	[dreg:$0x3] =	wrdreg s5  }
0xb9: {  	[dreg:$0x4] =	wrdreg $0xC0  }
0xba: {  	_ =	task [dreg:s22], $0x5FFFF  }
0xbb: {  	[dreg:$0x1] =	wrdreg $0xFFFFFFFF  }
0xbc: {  	[dreg:$0x0] =	wrdreg $0x60  }
0xbd: {  	[dreg:$0x2] =	wrdreg s24  }
0xbe: {  	[dreg:$0x3] =	wrdreg $0x9  }
0xbf: {  	_ =	task.clear_ibuf [dreg:s22], $0x4FFFF;
	_ =	strace $0x90000049  }
0xc0: {  	s29 =	simm.s32 $0x9;
	_ =	strace $0x8000004B  }
0xc1: {  	_ =	swait.ge [sflag:s29], $0x1  }
0xc2: {  	[sflag:s29] =	ssyncadd.s32 $0xFFFFFFFF  }
0xc3: {  	_ =	strace $0x9000004B  }
0xc4: {  	_ =	sfence  }
0xc5: {  	s30 =	sld [smem:$0x0];
	_ =	sdelay $0x2  }
0xc6: {  	s31 =	sshll.u32 s1, $0xD;
	s1 =	sshrl.u32 s1, $0x2  }
0xc7: {  	s4 =	sand.u32 $0x4000, s31;
	s1 =	sadd.s32 s1, s30  }
0xc8: {  	s0 =	sor.u32 s4, s0;
	s1 =	sshll.u32 s1, $0x11  }
0xc9: {  	s0 =	sor.u32 s1, s0  }
0xca: {  	s0 =	sadd.s32 $0x8F2B, s0  }
0xcb: {  	[sflag:s0] =	ssyncadd.remote.s32 $0x1  }
0xcc: {  	_ =	sfence.sel $0xFFFF  }
0xcd: {  	[dreg:$0x0] =	wrdreg $0xFFFFFFFF;
	(pc) =	sbr.abs _section_cstart, $3  }
0xce: {  	[dreg:$0x1] =	wrdreg $0xFFFFFFFF  }
0xcf: {  	_ =	task.clear_ibuf [dreg:s22], $0x2FFFF;
	_ =	strace $0x9FFFFFFF  }
0xd0: {  	(tm) =	ssettm $0x7FFFFFFF  }
0xd1: {  	_ =	shalt  }
tec
execute0_lowered:
.L_overlay_start_1:
0x0: {  	(tag) =	ssettag $0x1  }
0x1: {  	s4 =	rddreg [dreg:$0x0]  }
0x2: {  	s0 =	rddreg [dreg:$0x1]  }
0x3: {  	s2 =	simm.s32 $0x0;
	s3 =	srdreg.scid;
	s1 =	stileid.u32  }
0x4: {  	s13 =	simm.s32 $0x5000;
	s14 =	simm.s32 $0x1;
	s15 =	simm.s32 $0x2  }
0x5: {  	s16 =	simm.s32 $0xC80;
	s17 =	simm.s32 $0x0;
	s25 =	smul.u32 $0xD0000, s1  }
0x6: {  	[smem:$0x7FF] =	sst s2;
	s7 =	sand.u32 $0x1, s3;
	s29 =	smul.u32 $0x1A000, s1  }
0x7: {  	s5 =	sshll.u32 s1, $0x1;
	s3 =	sadd.s32 $0x7DA00, s4;
	s28 =	smul.u32 $0x68000, s7  }
0x8: {  	s12 =	sadd.s32 $0xBDDA00, s4;
	s5 =	sor.u32 s7, s5;
	s30 =	smul.u32 $0xD000, s7  }
0x9: {  	_ =	strace $0x8000004A;
	s8 =	ssub.s32 $0x2, s7;
	s9 =	smul.u32 $0x68000, s5  }
0xa: {  	s6 =	sshll.u32 s5, $0x9;
	s10 =	sshrl.u32 s8, $0x1;
	s11 =	smul.u32 $0xD000, s5  }
0xb: {  	s6 =	sadd.s32 s6, s4;
	s24 =	ssub.s32 s8, s10;
	s8 =	sadd.s32 s28, s25  }
0xc: {  	s10 =	sadd.s32 s29, s12;
	s4 =	sadd.s32 $0x79A00, s6;
	s26 =	sshrl.u32 s9, $0x3  }
0xd: {  	s5 =	smax.u32 s24, $0x1;
	s31 =	sadd.s32 s12, s11;
	s8 =	sshrl.u32 s8, $0x3  }
0xe: {  	s9 =	sadd.s32 s30, s10;
	s10 =	simm.s32 $0x3;
	s11 =	simm.s32 $0x1000  }
0xf: {  	s6 =	sadd.s32 s12, s26;
	s7 =	sadd.s32 $0xC800, s31;
	s8 =	sadd.s32 s8, s12  }
0x10: {  	s9 =	sadd.s32 $0x800, s9;
	s12 =	simm.s32 $0x80;
	s6 =	sadd.s32 $0xC000, s6  }
.LBB2_1:
0x11: {  	[tilespmem:s2], [sflag:$0x3] =	stream.linear.gather [hbm4b:s4+s2], $0x1000, $0x38;
	[tilespmem:$0x9000] =	vst v63  }
0x12: {  	_ =	swait.ge [sflag:s10], $0x1000  }
0x13: {  	[sflag:s10] =	ssyncset.done $0x0  }
0x14: {  	[sflag:s10] =	ssyncadd.s32 $0xFFFFF000  }
0x15: {  	[tilespmem:s11], [sflag:$0x1] =	stream.indirect.gather [hbm4b:s3+s12], $0x80, s2, s12, $0xb8;
	[tilespmem:$0x9000] =	vst v63  }
0x16: {  	_ = 	snop  }
0x17: {  	[tilespmem:s13], [sflag:$0x2] =	stream.indirect.gather [hbm4b:s3+s12], $0x80, s12, s12, $0xb8;
	[tilespmem:$0x9000] =	vst v63  }
0x18: {  	_ =	swait.ge [sflag:s14], $0x4000  }
0x19: {  	[sflag:s14] =	ssyncset.done $0x0  }
0x1a: {  	s18 =	sadd.s32 $0x0, s8;
	[sflag:s14] =	ssyncadd.s32 $0xFFFFC000  }
0x1b: {  	[hbm4b:s18+s2] =	stream.linear.scatter [tilespmem:s11], [sflag:$0x3], $0x4000, $0x38;
	[tilespmem:$0x9000] =	vst v63  }
0x1c: {  	_ =	swait.ge [sflag:s10], $0x4000  }
0x1d: {  	[sflag:s10] =	ssyncset.done $0x0  }
0x1e: {  	s30 =	simm.s32 $0x100;
	[sflag:s10] =	ssyncadd.s32 $0xFFFFC000  }
0x1f: {  	[tilespmem:s11], [sflag:$0x1] =	stream.indirect.gather [hbm4b:s3+s12], $0x80, s30, s12, $0xb8;
	[tilespmem:$0x9000] =	vst v63  }
0x20: {  	_ =	swait.ge [sflag:s15], $0x4000  }
0x21: {  	[sflag:s15] =	ssyncset.done $0x0  }
0x22: {  	s31 =	sadd.s32 $0x0, s9;
	[sflag:s15] =	ssyncadd.s32 $0xFFFFC000  }
0x23: {  	[hbm4b:s31+s2] =	stream.linear.scatter [tilespmem:s13], [sflag:$0x3], $0x4000, $0x38;
	[tilespmem:$0x9000] =	vst v63  }
0x24: {  	_ =	swait.ge [sflag:s10], $0x4000  }
0x25: {  	s19 =	simm.s32 $0x80;
	s18 =	simm.s32 $0x1000;
	[sflag:s10] =	ssyncset.done $0x0  }
.LBB2_2:
0x26: {  	p0 =	sne.s32 s18, $0xB000;
	[sflag:s10] =	ssyncadd.s32 $0xFFFFC000;
	s19 =	sadd.s32 $0x100, s19  }
0x27: {  	[tilespmem:s13], [sflag:$0x2] =	stream.indirect.gather [hbm4b:s3+s12], $0x80, s19, s12, $0xb8;
	[tilespmem:$0x9000] =	vst v63  }
0x28: {  	s20 =	smov.u32 s18;
	s18 =	sadd.s32 $0x1000, s18;
	_ =	swait.ge [sflag:s14], $0x4000  }
0x29: {  	[sflag:s14] =	ssyncset.done $0x0  }
0x2a: {  	s21 =	sadd.s32 s20, s8;
	[sflag:s14] =	ssyncadd.s32 $0xFFFFC000  }
0x2b: {  	[hbm4b:s21+s2] =	stream.linear.scatter [tilespmem:s11], [sflag:$0x3], $0x4000, $0x38;
	[tilespmem:$0x9000] =	vst v63  }
0x2c: {  	_ =	swait.ge [sflag:s10], $0x4000  }
0x2d: {  	[sflag:s10] =	ssyncset.done $0x0  }
0x2e: {  	s21 =	sadd.s32 $0x80, s19;
	[sflag:s10] =	ssyncadd.s32 $0xFFFFC000  }
0x2f: {  	[tilespmem:s11], [sflag:$0x1] =	stream.indirect.gather [hbm4b:s3+s12], $0x80, s21, s12, $0xb8;
	[tilespmem:$0x9000] =	vst v63  }
0x30: {  	_ =	swait.ge [sflag:s15], $0x4000  }
.Ltmp0:
0x31: {  	[sflag:s15] =	ssyncset.done $0x0;
	(pc) =	sbr.rel @p0 .LBB2_2-.Ltmp0, $4  }
0x32: {  	s20 =	sadd.s32 s20, s9;
	[sflag:s15] =	ssyncadd.s32 $0xFFFFC000  }
0x33: {  	[hbm4b:s20+s2] =	stream.linear.scatter [tilespmem:s13], [sflag:$0x3], $0x4000, $0x38;
	[tilespmem:$0x9000] =	vst v63  }
0x34: {  	_ =	swait.ge [sflag:s10], $0x4000  }
0x35: {  	[sflag:s10] =	ssyncset.done $0x0  }
0x36: {  	[sflag:s10] =	ssyncadd.s32 $0xFFFFC000  }
0x37: {  	[tilespmem:s13], [sflag:$0x2] =	stream.indirect.gather [hbm4b:s3+s12], $0x80, s16, s12, $0xb8;
	[tilespmem:$0x9000] =	vst v63  }
0x38: {  	_ =	swait.ge [sflag:s14], $0x4000  }
0x39: {  	[sflag:s14] =	ssyncset.done $0x0  }
0x3a: {  	[sflag:s14] =	ssyncadd.s32 $0xFFFFC000  }
0x3b: {  	[hbm4b:s6+s2] =	stream.linear.scatter [tilespmem:s11], [sflag:$0x3], $0x4000, $0x38;
	[tilespmem:$0x9000] =	vst v63  }
0x3c: {  	_ =	swait.ge [sflag:s10], $0x4000  }
0x3d: {  	[sflag:s10] =	ssyncset.done $0x0  }
0x3e: {  	[sflag:s10] =	ssyncadd.s32 $0xFFFFC000  }
0x3f: {  	s17 =	sadd.s32 $0x1, s17;
	_ =	swait.ge [sflag:s15], $0x4000  }
0x40: {  	p0 =	sne.s32 s17, s5;
	[sflag:s15] =	ssyncset.done $0x0  }
.Ltmp1:
0x41: {  	[sflag:s15] =	ssyncadd.s32 $0xFFFFC000;
	(pc) =	sbr.rel @p0 .LBB2_1-.Ltmp1, $4  }
0x42: {  	[hbm4b:s7+s2] =	stream.linear.scatter [tilespmem:s13], [sflag:$0x3], $0x4000, $0x38;
	[tilespmem:$0x9000] =	vst v63  }
0x43: {  	_ =	swait.ge [sflag:s10], $0x4000  }
0x44: {  	[sflag:s10] =	ssyncset.done $0x0  }
0x45: {  	[sflag:s10] =	ssyncadd.s32 $0xFFFFC000  }
0x46: {  	_ =	sfence.sel $0x180000  }
0x47: {  	[bflag:$0x0] =	sbarrier.arrive $0xFFFF  }
0x48: {  	p0 =	sne.s32 s1, $0x0;
	_ =	strace $0x9000004A  }
0x49: {  	s0 =	sadd.s32 @!p0 $0x100000, s0;
	[bflag:$0x2] =	sbarrier.arrive $0xFFFF  }
0x4a: {  	[sflag:s0] =	ssyncadd.tile.s32 @!p0 $0x1;
	_ =	shalt  }
.Lfunc_end2:
_tile_overlayer_lowered:
.L_overlay_start_2:
0x4b: {  	(tag) =	ssettag $0x2  }
0x4c: {  	s0 =	rddreg [dreg:$0x0];
	s2 =	stileid.u32  }
0x4d: {  	s1 =	rddreg [dreg:$0x1];
	p0 =	sne.s32 s2, $0x0  }
0x4e: {  	s3 =	rddreg [dreg:$0x2];
	[bflag:$0x3] =	sbarrier.arrive $0xFFFF;
	s2 =	simm.s32 @!p0 $0x1C03  }
0x4f: {  	[timem:s3], [sflag:s2] =	dma.local @!p0 [hbm:s0], s1  }
0x50: {  	s0 =	simm.s32 @!p0 $0x3  }
0x51: {  	_ =	swait.ge @!p0 [sflag:s0], s1  }
0x52: {  	s1 =	ssub.s32 @!p0 $0x0, s1;
	[sflag:s0] =	ssyncset.done @!p0 $0x0  }
0x53: {  	[sflag:s0] =	ssyncadd.s32 @!p0 s1  }
0x54: {  	[bflag:$0x3] =	sbarrier.arrive $0xFFFF  }
0x55: {  	_ =	shalt  }

// kernel: kernel.9.cloned.1.call-start
scs
__scs_entry_jumppad:
0x0: {  	(pc) =	sbr.rel $0x88, $3  }
0x1: {  	(tag) =	ssettag $0x0;
	lr =	simm.s32 $0x1  }
0x2: {  	[smem:$0x3F8F] =	sst lr;
	_ =	strace $0xD0000000  }
0x3: {  	_ = 	snop  }
0x4: {  	_ = 	snop  }
0x5: {  	_ = 	snop  }
0x6: {  	_ = 	snop  }
0x7: {  	_ = 	snop  }
__scs_overlays_trampoline_lowered:
0x8: {  	[smem:$0x3F9E] =	sst s0  }
0x9: {  	[smem:$0x3F9F] =	sst s1  }
0xa: {  	[smem:$0x3FA0] =	sst s2  }
0xb: {  	[smem:$0x3FA1] =	sst s3  }
0xc: {  	[smem:$0x3FA2] =	sst s4  }
0xd: {  	[smem:$0x3FA3] =	sst s5  }
0xe: {  	[smem:$0x3FA4] =	sst s6  }
0xf: {  	[smem:$0x3FA5] =	sst s7  }
0x10: {  	[smem:$0x3FA6] =	sst s8  }
0x11: {  	[smem:$0x3FA7] =	sst s9;
	s0 =	simm.s32 @!p0 $0x0  }
0x12: {  	s1 =	sld [smem:$0x3F8D];
	s0 =	simm.s32 @p0 $0x1  }
0x13: {  	[smem:$0x3FA8] =	sst s0;
	s0 =	simm.s32 @!p1 $0x0  }
0x14: {  	s2 =	sld [smem:$0x3F8C];
	s0 =	simm.s32 @p1 $0x1  }
0x15: {  	[smem:$0x3FA9] =	sst s0;
	s0 =	simm.s32 @!p2 $0x0  }
0x16: {  	s3 =	sld [smem:$0x3FDB];
	s0 =	simm.s32 @p2 $0x1  }
0x17: {  	s4 =	simm.s32 $0x1BF5;
	[smem:$0x3FAB] =	sst s0  }
0x18: {  	s0 =	sld [smem:$0x3F8E];
	_ =	swait.ge [sflag:s4], $0x0  }
0x19: {  	s7 =	sld [smem:$0x3F8F]  }
0x1a: {  	s8 =	sadd.s32 $0xFFFFE003, lr  }
0x1b: {  	s9 =	sadd.s32 $0xFFFFFEF7, lr;
	s5 =	simm.s32 $0xFFFFFFFF;
	p2 =	slt.u32 s8, $0xFFFFF086  }
0x1c: {  	p1 =	slt.u32 s9, $0xF7A;
	s5 =	simm.s32 @!p2 $0x0  }
0x1d: {  	s5 =	simm.s32 @p1 $0x1;
	p0 =	seq.s32 s7, s2  }
0x1e: {  	s7 =	smul.u32 @!p0 $0xF7A, s2;
	p2 =	seq.s32 @!p0 s5, $0x0  }
0x1f: {  	s9 =	smul.u32 $0xF7A, s1;
	s8 =	simm.s32 @!p0 $0x1BF5;
	p2 =	por !p2, p0  }
0x20: {  	[sflag:s8] =	ssyncset.s32 @!p0 $0xFFFFF086;
	s6 =	sadd.s32 @!p0 s3, s7;
	s7 =	simm.s32 @!p0 $0x108  }
0x21: {  	s3 =	sadd.s32 s3, s9;
	s6 =	sadd.s32 @!p0 $0x88, s6;
	s7 =	simm.s32 @p2 $0x1082  }
0x22: {  	[simem:s7], [sflag:s8] =	dma.local @!p0 [hbm:s6], $0xF7A  }
0x23: {  	s9 =	sor.u32 $0xD0000000, s2;
	s6 =	simm.s32 $0x108;
	_ =	swait.ge @!p0 [sflag:s8], $0x0  }
0x24: {  	s3 =	sadd.s32 $0x88, s3;
	s6 =	simm.s32 @!p1 $0x1082;
	[sflag:s4] =	ssyncset.s32 $0xFFFFF086  }
0x25: {  	[simem:s6], [sflag:s4] =	dma.local [hbm:s3], $0xF7A  }
0x26: {  	[smem:$0x3F8F] =	sst s1;
	(tag) =	ssettag s2;
	_ =	strace s9  }
0x27: {  	s1 =	sld [smem:$0x3F9F]  }
0x28: {  	s2 =	sld [smem:$0x3FA0]  }
0x29: {  	s4 =	sld [smem:$0x3FA2]  }
0x2a: {  	p0 =	seq.s32 s5, $0x0;
	s5 =	sld [smem:$0x3FA3]  }
0x2b: {  	s6 =	sld [smem:$0x3FA4]  }
0x2c: {  	s7 =	sld [smem:$0x3FA5]  }
0x2d: {  	s3 =	simm.s32 $0x108;
	s8 =	sld [smem:$0x3FA6]  }
0x2e: {  	s3 =	simm.s32 @!p0 $0x1082;
	s9 =	sld [smem:$0x3FA7]  }
0x2f: {  	lr =	sadd.s32 s0, s3;
	s0 =	sld [smem:$0x3F9E]  }
0x30: {  	s3 =	sld [smem:$0x3FA1]  }
0x31: {  	[smem:$0x3FAA] =	sst s10  }
0x32: {  	s10 =	sld [smem:$0x3FA8];
	_ =	sdelay $0x3  }
0x33: {  	p0 =	seq.s32 s10, $0x1;
	s10 =	sld [smem:$0x3FAA];
	_ =	sdelay $0x3  }
0x34: {  	[smem:$0x3FAA] =	sst s10  }
0x35: {  	s10 =	sld [smem:$0x3FA9];
	_ =	sdelay $0x3  }
0x36: {  	p1 =	seq.s32 s10, $0x1;
	s10 =	sld [smem:$0x3FAA];
	_ =	sdelay $0x3  }
0x37: {  	[smem:$0x3FAA] =	sst s10  }
0x38: {  	s10 =	sld [smem:$0x3FAB]  }
0x39: {  	_ = 	snop;
	(pc) =	sbr.ind lr, $3  }
0x3a: {  	_ = 	snop  }
0x3b: {  	_ = 	snop  }
0x3c: {  	p2 =	seq.s32 s10, $0x1;
	s10 =	sld [smem:$0x3FAA]  }
0x3d: {  	_ =	shalt  }
0x3e: {  	_ =	shalt  }
0x3f: {  	_ =	shalt  }
0x40: {  	_ =	shalt  }
0x41: {  	_ =	shalt  }
0x42: {  	_ =	shalt  }
0x43: {  	_ =	shalt  }
0x44: {  	_ =	shalt  }
0x45: {  	_ =	shalt  }
0x46: {  	_ =	shalt  }
0x47: {  	_ =	shalt  }
0x48: {  	_ =	shalt  }
0x49: {  	_ =	shalt  }
0x4a: {  	_ =	shalt  }
0x4b: {  	_ =	shalt  }
0x4c: {  	_ =	shalt  }
0x4d: {  	_ =	shalt  }
0x4e: {  	_ =	shalt  }
0x4f: {  	_ =	shalt  }
0x50: {  	_ =	shalt  }
0x51: {  	_ =	shalt  }
0x52: {  	_ =	shalt  }
0x53: {  	_ =	shalt  }
0x54: {  	_ =	shalt  }
0x55: {  	_ =	shalt  }
0x56: {  	_ =	shalt  }
0x57: {  	_ =	shalt  }
0x58: {  	_ =	shalt  }
0x59: {  	_ =	shalt  }
0x5a: {  	_ =	shalt  }
0x5b: {  	_ =	shalt  }
0x5c: {  	_ =	shalt  }
0x5d: {  	_ =	shalt  }
0x5e: {  	_ =	shalt  }
0x5f: {  	_ =	shalt  }
0x60: {  	_ =	shalt  }
0x61: {  	_ =	shalt  }
0x62: {  	_ =	shalt  }
0x63: {  	_ =	shalt  }
0x64: {  	_ =	shalt  }
0x65: {  	_ =	shalt  }
0x66: {  	_ =	shalt  }
0x67: {  	_ =	shalt  }
0x68: {  	_ =	shalt  }
0x69: {  	_ =	shalt  }
0x6a: {  	_ =	shalt  }
0x6b: {  	_ =	shalt  }
0x6c: {  	_ =	shalt  }
0x6d: {  	_ =	shalt  }
0x6e: {  	_ =	shalt  }
0x6f: {  	_ =	shalt  }
0x70: {  	_ =	shalt  }
0x71: {  	_ =	shalt  }
0x72: {  	_ =	shalt  }
0x73: {  	_ =	shalt  }
0x74: {  	_ =	shalt  }
0x75: {  	_ =	shalt  }
0x76: {  	_ =	shalt  }
0x77: {  	_ =	shalt  }
0x78: {  	_ =	shalt  }
0x79: {  	_ =	shalt  }
0x7a: {  	_ =	shalt  }
0x7b: {  	_ =	shalt  }
0x7c: {  	_ =	shalt  }
0x7d: {  	_ =	shalt  }
0x7e: {  	_ =	shalt  }
0x7f: {  	_ =	shalt  }
0x80: {  	_ =	shalt  }
0x81: {  	_ =	shalt  }
0x82: {  	_ =	shalt  }
0x83: {  	_ =	shalt  }
0x84: {  	_ =	shalt  }
0x85: {  	_ =	shalt  }
0x86: {  	_ =	shalt  }
0x87: {  	_ =	shalt  }
.Lfunc_end0:
.L_simem_size_0:
called_computation.1_lowered:
.L_overlay_start_0:
0x88: {  	s2 =	sld [smem:$0x3FD9]  }
0x89: {  	s3 =	sld [smem:$0x3FFE];
	_ =	sdelay $0x1  }
0x8a: {  	s1 =	srdreg.scid  }
0x8b: {  	s0 =	sand.u32 $0x1, s1  }
0x8c: {  	s16 =	sshll.u32 s0, $0xA;
	s2 =	sadd.s32 s3, s2  }
0x8d: {  	s2 =	sadd.s32 s2, s16  }
0x8e: {  	[smem:$0x3FB6] =	sst s2  }
0x8f: {  	_ = 	snop  }
0x90: {  	(tm) =	ssettm $0x1  }
0x91: {  	s17 =	sld [smem:$0x3FFB];
	_ =	sdelay $0x3  }
0x92: {  	_ =	strace s17  }
0x93: {  	s2 =	sld [smem:$0x3FFC];
	_ =	sdelay $0x3  }
0x94: {  	_ =	strace s2  }
0x95: {  	s2 =	sld [smem:$0x3FFD];
	_ =	sdelay $0x3  }
0x96: {  	_ =	strace s2  }
0x97: {  	_ =	strace $0x8FFFFFFF  }
0x98: {  	s18 =	sld [smem:$0x3FDB];
	_ =	sdelay $0x1  }
0x99: {  	s19 =	simm.s32 $_scs_section_size  }
0x9a: {  	s4 =	simm.s32 $_size__tile_overlayer_lowered;
	s5 =	simm.s32 $_tile_overlayer_lowered  }
0x9b: {  	s22 =	simm.s32 $0x1BFF;
	s21 =	sshll.u32 s5, $0x1;
	s2 =	sadd.s32 s19, s18  }
0x9c: {  	s6 =	simm.s32 $0x0;
	s20 =	sshll.u32 s4, $0x1;
	s4 =	sadd.s32 s21, s2  }
0x9d: {  	[timem:s6], [sflag:s22] =	dma.local [hbm:s4], s20  }
0x9e: {  	_ =	swait.ge [sflag:s22], s20  }
0x9f: {  	s3 =	ssub.s32 $0x0, s20;
	[sflag:s22] =	ssyncset.done $0x0  }
0xa0: {  	[sflag:s22] =	ssyncadd.s32 s3;
	_ =	sdelay $0x1  }
0xa1: {  	s23 =	simm.s32 $0x1B8B  }
0xa2: {  	_ =	swait.ge [sflag:s23], $0x1  }
0xa3: {  	[sflag:s23] =	ssyncset.done $0x0  }
0xa4: {  	s25 =	simm.s32 $0x1B8E;
	s24 =	sld [smem:$0x3FFE];
	[sflag:s23] =	ssyncadd.s32 $0xFFFFFFFF  }
0xa5: {  	s26 =	simm.s32 $execute0_lowered;
	[smem:$0x3FD2] =	sst s25  }
0xa6: {  	s4 =	sshll.u32 s26, $0x1;
	_ =	strace $0x80000046;
	[dreg:$0x1] =	wrdreg $0xFFFFFFFF  }
0xa7: {  	s28 =	simm.s32 $_size_execute0_lowered;
	s2 =	sadd.s32 s2, s4;
	[dreg:$0x0] =	wrdreg $0x0  }
0xa8: {  	s4 =	sshll.u32 s28, $0x1;
	[dreg:$0x2] =	wrdreg s2  }
0xa9: {  	[dreg:$0x3] =	wrdreg s4  }
0xaa: {  	[dreg:$0x4] =	wrdreg $0xC0  }
0xab: {  	_ =	task [dreg:s6], $0x5FFFF  }
0xac: {  	[dreg:$0x1] =	wrdreg $0xFFFFFFFF  }
0xad: {  	[dreg:$0x0] =	wrdreg $0x60  }
0xae: {  	[dreg:$0x2] =	wrdreg s24  }
0xaf: {  	[dreg:$0x3] =	wrdreg $0xA  }
0xb0: {  	_ =	task.clear_ibuf [dreg:s6], $0x4FFFF;
	_ =	strace $0x90000046  }
0xb1: {  	s29 =	simm.s32 $0xA;
	_ =	strace $0x80000048  }
0xb2: {  	_ =	swait.ge [sflag:s29], $0x1  }
0xb3: {  	[sflag:s29] =	ssyncadd.s32 $0xFFFFFFFF  }
0xb4: {  	_ =	strace $0x90000048  }
0xb5: {  	_ =	sfence  }
0xb6: {  	s30 =	sld [smem:$0x0];
	_ =	sdelay $0x2  }
0xb7: {  	s31 =	sshll.u32 s1, $0xD;
	s1 =	sshrl.u32 s1, $0x2  }
0xb8: {  	s3 =	sand.u32 $0x4000, s31;
	s1 =	sadd.s32 s1, s30  }
0xb9: {  	s0 =	sor.u32 s3, s0;
	s1 =	sshll.u32 s1, $0x11  }
0xba: {  	s0 =	sor.u32 s1, s0  }
0xbb: {  	s0 =	sadd.s32 $0x8F2B, s0  }
0xbc: {  	[sflag:s0] =	ssyncadd.remote.s32 $0x1  }
0xbd: {  	_ =	sfence.sel $0xFFFF  }
0xbe: {  	[dreg:$0x0] =	wrdreg $0xFFFFFFFF;
	(pc) =	sbr.abs _section_cstart, $3  }
0xbf: {  	[dreg:$0x1] =	wrdreg $0xFFFFFFFF  }
0xc0: {  	_ =	task.clear_ibuf [dreg:s6], $0x2FFFF;
	_ =	strace $0x9FFFFFFF  }
0xc1: {  	(tm) =	ssettm $0x7FFFFFFF  }
tec
execute0_lowered:
.L_overlay_start_1:
0x0: {  	(tag) =	ssettag $0x1  }
0x1: {  	s4 =	rddreg [dreg:$0x0]  }
0x2: {  	s0 =	rddreg [dreg:$0x1];
	s3 =	srdreg.scid  }
0x3: {  	s2 =	simm.s32 $0x0;
	s1 =	stileid.u32;
	s7 =	simm.s32 $0x2  }
0x4: {  	s8 =	simm.s32 $0x80;
	s9 =	simm.s32 $0x1;
	s10 =	simm.s32 $0x1000  }
0x5: {  	s11 =	simm.s32 $0x0;
	s3 =	sand.u32 $0x1, s3;
	[smem:$0x7FF] =	sst s2  }
0x6: {  	s5 =	sshll.u32 s1, $0xA;
	s6 =	sshll.u32 s3, $0x9;
	s30 =	ssub.s32 $0x2, s3  }
0x7: {  	_ =	strace $0x80000047;
	s5 =	sor.u32 s6, s5;
	s31 =	sshrl.u32 s30, $0x1  }
0x8: {  	s3 =	sadd.s32 $0x2400, s4;
	s5 =	sadd.s32 s5, s4;
	s6 =	ssub.s32 s30, s31  }
0x9: {  	s4 =	sadd.s32 $0x51A00, s5;
	s5 =	sadd.s32 $0x55A00, s5;
	s6 =	smax.u32 s6, $0x1  }
.LBB2_1:
0xa: {  	[tilespmem:s2], [sflag:$0x2] =	stream.linear.gather [hbm4b:s4+s2], $0x1000, $0x38;
	[tilespmem:$0x2000] =	vst v63  }
0xb: {  	_ =	swait.ge [sflag:s7], $0x1000  }
0xc: {  	[sflag:s7] =	ssyncset.done $0x0  }
0xd: {  	s12 =	simm.s32 $0x0;
	s13 =	simm.s32 $0x1000;
	[sflag:s7] =	ssyncadd.s32 $0xFFFFF000  }
0xe: {  	[tilespmem:s13], [sflag:$0x1] =	stream.indirect.gather [hbm4b:s3+s8], $0x1, s12, s8, $0xb8;
	[tilespmem:$0x2000] =	vst v63  }
0xf: {  	s12 =	simm.s32 $0x200;
	_ =	swait.ge [sflag:s9], $0x80  }
.LBB2_2:
0x10: {  	s13 =	sshra.s32 s12, $0x2;
	[sflag:s9] =	ssyncset.done $0x0;
	p0 =	sne.s32 s12, $0x3200  }
.Ltmp0:
0x11: {  	s14 =	sadd.s32 $0x1000, s13;
	[sflag:s9] =	ssyncadd.s32 $0xFFFFFF80;
	(pc) =	sbr.rel @p0 .LBB2_2-.Ltmp0, $3  }
0x12: {  	[tilespmem:s14], [sflag:$0x1] =	stream.indirect.gather [hbm4b:s3+s8], $0x1, s13, s8, $0xb8;
	[tilespmem:$0x2000] =	vst v63  }
0x13: {  	s12 =	sadd.s32 $0x200, s12;
	_ =	sdelay $0x1  }
0x14: {  	_ =	swait.ge [sflag:s9], $0x80  }
0x15: {  	s11 =	sadd.s32 $0x1, s11  }
0x16: {  	[sflag:s9] =	ssyncset.done $0x0;
	p0 =	sne.s32 s11, s6  }
.Ltmp1:
0x17: {  	[sflag:s9] =	ssyncadd.s32 $0xFFFFFF80;
	(pc) =	sbr.rel @p0 .LBB2_1-.Ltmp1, $4  }
0x18: {  	[hbm4b:s5+s2] =	stream.linear.scatter [tilespmem:s10], [sflag:$0x2], $0x1000, $0x38;
	[tilespmem:$0x2000] =	vst v63  }
0x19: {  	_ =	swait.ge [sflag:s7], $0x1000  }
0x1a: {  	[sflag:s7] =	ssyncset.done $0x0  }
0x1b: {  	[sflag:s7] =	ssyncadd.s32 $0xFFFFF000  }
0x1c: {  	_ =	sfence.sel $0x180000  }
0x1d: {  	[bflag:$0x0] =	sbarrier.arrive $0xFFFF  }
0x1e: {  	p0 =	sne.s32 s1, $0x0;
	_ =	strace $0x90000047  }
0x1f: {  	s0 =	sadd.s32 @!p0 $0x100000, s0;
	[bflag:$0x2] =	sbarrier.arrive $0xFFFF  }
0x20: {  	[sflag:s0] =	ssyncadd.tile.s32 @!p0 $0x1;
	_ =	shalt  }
.Lfunc_end2:
_tile_overlayer_lowered:
.L_overlay_start_2:
0x21: {  	(tag) =	ssettag $0x2  }
0x22: {  	s0 =	rddreg [dreg:$0x0];
	s2 =	stileid.u32  }
0x23: {  	s1 =	rddreg [dreg:$0x1];
	p0 =	sne.s32 s2, $0x0  }
0x24: {  	s3 =	rddreg [dreg:$0x2];
	[bflag:$0x3] =	sbarrier.arrive $0xFFFF;
	s2 =	simm.s32 @!p0 $0x1C02  }
0x25: {  	[timem:s3], [sflag:s2] =	dma.local @!p0 [hbm:s0], s1  }
0x26: {  	s0 =	simm.s32 @!p0 $0x2  }
0x27: {  	_ =	swait.ge @!p0 [sflag:s0], s1  }
0x28: {  	s1 =	ssub.s32 @!p0 $0x0, s1;
	[sflag:s0] =	ssyncset.done @!p0 $0x0  }
0x29: {  	[sflag:s0] =	ssyncadd.s32 @!p0 s1  }
0x2a: {  	[bflag:$0x3] =	sbarrier.arrive $0xFFFF  }
0x2b: {  	_ =	shalt  }

</sc_bundles>
